<compile_context>
chip_gen: v7x
topology: tpu7x:2x2x1
jax: 0.10.2.dev20260603
libtpu: 0.0.44.dev20260713+nightly
codegen_flags: <defaults>
</compile_context>

<pallas_src>
import functools

import jax
import jax.numpy as jnp
from jax import lax
from jax.experimental import pallas as pl
from jax.experimental.pallas import tpu as pltpu
from jax.experimental.pallas import tpu_sc as plsc

LANES = 16
GROUPS = 2


def _build(B, T, D):
    info = plsc.get_sparse_core_info()
    NC, NS = info.num_cores, info.num_subcores
    NW = NC * NS
    t_per_w = T // NW
    b_per_g = B // GROUPS
    vregs_per_row = D // LANES

    mesh = plsc.VectorSubcoreMesh(core_axis_name="c", subcore_axis_name="s")

    @functools.partial(
        pl.kernel,
        mesh=mesh,
        out_type=jax.ShapeDtypeStruct((B, T, D), jnp.float32),
        scratch_types=[
            pltpu.VMEM((B * t_per_w,), jnp.int32),
            pltpu.VMEM((B * t_per_w, D), jnp.float32),
            pltpu.VMEM((t_per_w, D), jnp.float32),
        ]
        + [pltpu.SemaphoreType.DMA] * GROUPS
        + [pltpu.SemaphoreType.DMA, pltpu.SemaphoreType.DMA],
    )
    def emb(x_hbm, table_hbm, pos_hbm, out_hbm, idx_v, rows_v, pos_v, *sems):
        gsems, osem, isem = sems[:GROUPS], sems[GROUPS], sems[GROUPS + 1]
        wid = lax.axis_index("s") * NC + lax.axis_index("c")
        col = wid * t_per_w

        idx_cps = [
            pltpu.async_copy(
                x_hbm.at[b, pl.ds(col, t_per_w)],
                idx_v.at[pl.ds(b * t_per_w, t_per_w)],
                isem,
            )
            for b in range(B)
        ]
        gathers = [[] for _ in range(GROUPS)]
        for b in range(B):
            idx_cps[b].wait()
            gathers[b // b_per_g].append(
                pltpu.async_copy(
                    table_hbm.at[idx_v.at[pl.ds(b * t_per_w, t_per_w)]],
                    rows_v.at[pl.ds(b * t_per_w, t_per_w)],
                    gsems[b // b_per_g],
                )
            )
        pos_cp = pltpu.async_copy(pos_hbm.at[pl.ds(col, t_per_w)], pos_v, isem)

        outs = []
        for g in range(GROUPS):
            for cp in gathers[g]:
                cp.wait()
            if g == 0:
                pos_cp.wait()

            def row_body(r, carry, g=g):
                pos_regs = [
                    pos_v[r, pl.ds(j * LANES, LANES)] for j in range(vregs_per_row)
                ]
                for b in range(g * b_per_g, (g + 1) * b_per_g):
                    base = b * t_per_w
                    for j in range(vregs_per_row):
                        s = pl.ds(j * LANES, LANES)
                        rows_v[base + r, s] = rows_v[base + r, s] + pos_regs[j]
                return carry

            lax.fori_loop(0, t_per_w, row_body, 0)
            outs.extend(
                pltpu.async_copy(
                    rows_v.at[pl.ds(b * t_per_w, t_per_w)],
                    out_hbm.at[b, pl.ds(col, t_per_w)],
                    osem,
                )
                for b in range(g * b_per_g, (g + 1) * b_per_g)
            )
        for cp in outs:
            cp.wait()

    return emb


def kernel(x, token_table, pos_table):
    B, T = x.shape
    D = token_table.shape[1]
    return _build(B, T, D)(x.astype(jnp.int32), token_table, pos_table)

# --- scband reference (transcript-rebuilt; emitter-appended) ---
"""Pipeline reference for scband-gptembedding-6588479832229 (READ-ONLY COPY).

The authoritative reference and input builder live on the scoring server;
editing this copy changes nothing except your own understanding.
"""

import jax, jax.numpy as jnp
import numpy as np

VOCAB = 100000
EMBED_DIM = 128
BLOCK = 2048
B = 4
T = 2048

def setup_inputs(seed: int = 0) -> dict:
    key = jax.random.key(seed)
    k1, k2, k3 = jax.random.split(key, 3)
    x = jax.random.randint(k1, (B, T), 0, VOCAB, dtype=jnp.int64) if jax.config.jax_enable_x64 else jax.random.randint(k1, (B, T), 0, VOCAB, dtype=jnp.int32)
    token_table = jax.random.normal(k2, (VOCAB, EMBED_DIM), dtype=jnp.float32) * 0.02
    pos_table = jax.random.normal(k3, (BLOCK, EMBED_DIM), dtype=jnp.float32) * 0.02
    return {"x": x, "token_table": token_table, "pos_table": pos_table}

def reference(x, token_table, pos_table):
    # token embedding lookup
    token_emb = jnp.take(token_table, x, axis=0)          # [B, T, D]
    # position embedding lookup
    positions = jnp.arange(x.shape[1])
    pos_emb = jnp.take(pos_table, positions, axis=0)       # [T, D]
    out = token_emb + pos_emb[None, :, :]
    # dropout is identity at inference
    return out

if __name__ == "__main__":
    import jax
    _d = setup_inputs()
    print(jax.jit(kernel)(*tuple(_d.values())))

</pallas_src>

<mosaic_0001>
#map = affine_map<(d0, d1) -> (0, 0)>
#map1 = affine_map<(d0, d1) -> (0, 0, 0)>
module attributes {stable_mosaic.version = 14 : i64} {
  func.func @emb(%arg0: i32, %arg1: i32, %arg2: memref<4x2048xi32, #tpu.memory_space<hbm>>, %arg3: memref<100000x128xf32, #tpu.memory_space<hbm>>, %arg4: memref<2048x128xf32, #tpu.memory_space<hbm>>, %arg5: memref<4x2048x128xf32, #tpu.memory_space<hbm>>, %arg6: memref<256xi32, #tpu.memory_space<vmem>>, %arg7: memref<256x128xf32, #tpu.memory_space<vmem>>, %arg8: memref<64x128xf32, #tpu.memory_space<vmem>>, %arg9: memref<!tpu.dma_semaphore, #tpu.memory_space<semaphore_mem>>, %arg10: memref<!tpu.dma_semaphore, #tpu.memory_space<semaphore_mem>>, %arg11: memref<!tpu.dma_semaphore, #tpu.memory_space<semaphore_mem>>, %arg12: memref<!tpu.dma_semaphore, #tpu.memory_space<semaphore_mem>>) attributes {dimension_semantics = [#tpu.dimension_semantics<core_parallel>, #tpu.dimension_semantics<subcore_parallel>], iteration_bounds = array<i64: 2, 16>, scalar_prefetch = 0 : i64, scratch_operands = 7 : i64, tpu.core_type = #tpu.core_type<sc_vector_subcore>, window_params = [{transform_indices = #map}, {transform_indices = #map}, {transform_indices = #map}, {transform_indices = #map1}]} {
    %mul3A = arith.constant 2 : i32
    %mul3A_0 = arith.muli %arg1, %mul3A : i32
    %add3A = arith.addi %mul3A_0, %arg0 : i32
    %mul3A_1 = arith.constant 64 : i32
    %mul3A_2 = arith.muli %add3A, %mul3A_1 : i32
    %dma_start3A = arith.constant 0 : i32
    %dma_start3A_3 = arith.constant 0 : i32
    %dma_start3A_4 = tpu.memref_slice %arg6[%dma_start3A_3] : memref<256xi32, #tpu.memory_space<vmem>> -> memref<64xi32, #tpu.memory_space<vmem>>
    %dma_start3A_5 = tpu.memref_slice %arg2[%dma_start3A, %mul3A_2] : memref<4x2048xi32, #tpu.memory_space<hbm>> -> memref<1x64xi32, #tpu.memory_space<hbm>>
    %dma_start3A_6 = tpu.memref_squeeze %dma_start3A_5 : memref<1x64xi32, #tpu.memory_space<hbm>> -> memref<64xi32, #tpu.memory_space<hbm>>
    %dma_start3A_7 = arith.constant 0 : i32
    %dma_start3A_8 = tpu.memref_slice %arg6[%dma_start3A_7] : memref<256xi32, #tpu.memory_space<vmem>> -> memref<64xi32, #tpu.memory_space<vmem>>
    %dma_start3A_9 = tpu.memref_slice %arg2[%dma_start3A, %mul3A_2] : memref<4x2048xi32, #tpu.memory_space<hbm>> -> memref<1x64xi32, #tpu.memory_space<hbm>>
    %dma_start3A_10 = tpu.memref_squeeze %dma_start3A_9 : memref<1x64xi32, #tpu.memory_space<hbm>> -> memref<64xi32, #tpu.memory_space<hbm>>
    tpu.enqueue_dma source(%dma_start3A_10 : memref<64xi32, #tpu.memory_space<hbm>>) target(%dma_start3A_8 : memref<64xi32, #tpu.memory_space<vmem>>) target_semaphore(%arg12 : memref<!tpu.dma_semaphore, #tpu.memory_space<semaphore_mem>>)
    %dma_start3A_11 = arith.constant 1 : i32
    %dma_start3A_12 = arith.constant 64 : i32
    %dma_start3A_13 = tpu.memref_slice %arg6[%dma_start3A_12] : memref<256xi32, #tpu.memory_space<vmem>> -> memref<64xi32, #tpu.memory_space<vmem>>
    %dma_start3A_14 = tpu.memref_slice %arg2[%dma_start3A_11, %mul3A_2] : memref<4x2048xi32, #tpu.memory_space<hbm>> -> memref<1x64xi32, #tpu.memory_space<hbm>>
    %dma_start3A_15 = tpu.memref_squeeze %dma_start3A_14 : memref<1x64xi32, #tpu.memory_space<hbm>> -> memref<64xi32, #tpu.memory_space<hbm>>
    %dma_start3A_16 = arith.constant 64 : i32
    %dma_start3A_17 = tpu.memref_slice %arg6[%dma_start3A_16] : memref<256xi32, #tpu.memory_space<vmem>> -> memref<64xi32, #tpu.memory_space<vmem>>
    %dma_start3A_18 = tpu.memref_slice %arg2[%dma_start3A_11, %mul3A_2] : memref<4x2048xi32, #tpu.memory_space<hbm>> -> memref<1x64xi32, #tpu.memory_space<hbm>>
    %dma_start3A_19 = tpu.memref_squeeze %dma_start3A_18 : memref<1x64xi32, #tpu.memory_space<hbm>> -> memref<64xi32, #tpu.memory_space<hbm>>
    tpu.enqueue_dma source(%dma_start3A_19 : memref<64xi32, #tpu.memory_space<hbm>>) target(%dma_start3A_17 : memref<64xi32, #tpu.memory_space<vmem>>) target_semaphore(%arg12 : memref<!tpu.dma_semaphore, #tpu.memory_space<semaphore_mem>>)
    %dma_start3A_20 = arith.constant 2 : i32
    %dma_start3A_21 = arith.constant 128 : i32
    %dma_start3A_22 = tpu.memref_slice %arg6[%dma_start3A_21] : memref<256xi32, #tpu.memory_space<vmem>> -> memref<64xi32, #tpu.memory_space<vmem>>
    %dma_start3A_23 = tpu.memref_slice %arg2[%dma_start3A_20, %mul3A_2] : memref<4x2048xi32, #tpu.memory_space<hbm>> -> memref<1x64xi32, #tpu.memory_space<hbm>>
    %dma_start3A_24 = tpu.memref_squeeze %dma_start3A_23 : memref<1x64xi32, #tpu.memory_space<hbm>> -> memref<64xi32, #tpu.memory_space<hbm>>
    %dma_start3A_25 = arith.constant 128 : i32
    %dma_start3A_26 = tpu.memref_slice %arg6[%dma_start3A_25] : memref<256xi32, #tpu.memory_space<vmem>> -> memref<64xi32, #tpu.memory_space<vmem>>
    %dma_start3A_27 = tpu.memref_slice %arg2[%dma_start3A_20, %mul3A_2] : memref<4x2048xi32, #tpu.memory_space<hbm>> -> memref<1x64xi32, #tpu.memory_space<hbm>>
    %dma_start3A_28 = tpu.memref_squeeze %dma_start3A_27 : memref<1x64xi32, #tpu.memory_space<hbm>> -> memref<64xi32, #tpu.memory_space<hbm>>
    tpu.enqueue_dma source(%dma_start3A_28 : memref<64xi32, #tpu.memory_space<hbm>>) target(%dma_start3A_26 : memref<64xi32, #tpu.memory_space<vmem>>) target_semaphore(%arg12 : memref<!tpu.dma_semaphore, #tpu.memory_space<semaphore_mem>>)
    %dma_start3A_29 = arith.constant 3 : i32
    %dma_start3A_30 = arith.constant 192 : i32
    %dma_start3A_31 = tpu.memref_slice %arg6[%dma_start3A_30] : memref<256xi32, #tpu.memory_space<vmem>> -> memref<64xi32, #tpu.memory_space<vmem>>
    %dma_start3A_32 = tpu.memref_slice %arg2[%dma_start3A_29, %mul3A_2] : memref<4x2048xi32, #tpu.memory_space<hbm>> -> memref<1x64xi32, #tpu.memory_space<hbm>>
    %dma_start3A_33 = tpu.memref_squeeze %dma_start3A_32 : memref<1x64xi32, #tpu.memory_space<hbm>> -> memref<64xi32, #tpu.memory_space<hbm>>
    %dma_start3A_34 = arith.constant 192 : i32
    %dma_start3A_35 = tpu.memref_slice %arg6[%dma_start3A_34] : memref<256xi32, #tpu.memory_space<vmem>> -> memref<64xi32, #tpu.memory_space<vmem>>
    %dma_start3A_36 = tpu.memref_slice %arg2[%dma_start3A_29, %mul3A_2] : memref<4x2048xi32, #tpu.memory_space<hbm>> -> memref<1x64xi32, #tpu.memory_space<hbm>>
    %dma_start3A_37 = tpu.memref_squeeze %dma_start3A_36 : memref<1x64xi32, #tpu.memory_space<hbm>> -> memref<64xi32, #tpu.memory_space<hbm>>
    tpu.enqueue_dma source(%dma_start3A_37 : memref<64xi32, #tpu.memory_space<hbm>>) target(%dma_start3A_35 : memref<64xi32, #tpu.memory_space<vmem>>) target_semaphore(%arg12 : memref<!tpu.dma_semaphore, #tpu.memory_space<semaphore_mem>>)
    %dma_wait3A = arith.constant 0 : i32
    %dma_wait3A_38 = arith.constant 0 : i32
    %dma_wait3A_39 = tpu.memref_slice %arg6[%dma_wait3A_38] : memref<256xi32, #tpu.memory_space<vmem>> -> memref<64xi32, #tpu.memory_space<vmem>>
    %dma_wait3A_40 = tpu.memref_slice %arg2[%dma_wait3A, %mul3A_2] : memref<4x2048xi32, #tpu.memory_space<hbm>> -> memref<1x64xi32, #tpu.memory_space<hbm>>
    %dma_wait3A_41 = tpu.memref_squeeze %dma_wait3A_40 : memref<1x64xi32, #tpu.memory_space<hbm>> -> memref<64xi32, #tpu.memory_space<hbm>>
    %dma_wait3A_42 = arith.constant 0 : i32
    %dma_wait3A_43 = tpu.memref_slice %arg6[%dma_wait3A_42] : memref<256xi32, #tpu.memory_space<vmem>> -> memref<64xi32, #tpu.memory_space<vmem>>
    %dma_wait3A_44 = tpu.memref_slice %arg2[%dma_wait3A, %mul3A_2] : memref<4x2048xi32, #tpu.memory_space<hbm>> -> memref<1x64xi32, #tpu.memory_space<hbm>>
    %dma_wait3A_45 = tpu.memref_squeeze %dma_wait3A_44 : memref<1x64xi32, #tpu.memory_space<hbm>> -> memref<64xi32, #tpu.memory_space<hbm>>
    tpu.wait_dma2 semaphore(%arg12 : memref<!tpu.dma_semaphore, #tpu.memory_space<semaphore_mem>>) src(%dma_wait3A_45 : memref<64xi32, #tpu.memory_space<hbm>>) dst(%dma_wait3A_43 : memref<64xi32, #tpu.memory_space<vmem>>)
    %dma_start3A_46 = arith.constant 0 : i32
    %dma_start3A_47 = arith.constant 0 : i32
    %dma_start3A_48 = tpu.memref_slice %arg7[%dma_start3A_46, %dma_start3A_47] : memref<256x128xf32, #tpu.memory_space<vmem>> -> memref<64x128xf32, #tpu.memory_space<vmem>>
    %dma_start3A_49 = arith.constant 0 : i32
    %dma_start3A_50 = tpu.memref_slice %arg6[%dma_start3A_49] : memref<256xi32, #tpu.memory_space<vmem>> -> memref<64xi32, #tpu.memory_space<vmem>>
    %dma_start3A_51 = arith.constant 0 : i32
    %dma_start3A_52 = arith.constant 0 : i32
    %dma_start3A_53 = tpu.memref_slice %arg3[%dma_start3A_51, %dma_start3A_52] : memref<100000x128xf32, #tpu.memory_space<hbm>> -> memref<100000x128xf32, #tpu.memory_space<hbm>>
    tpu.enqueue_indirect_dma source(%dma_start3A_53 : memref<100000x128xf32, #tpu.memory_space<hbm>>) target(%dma_start3A_48 : memref<64x128xf32, #tpu.memory_space<vmem>>) offsets(%dma_start3A_50 : memref<64xi32, #tpu.memory_space<vmem>>) semaphore(%arg9 : memref<!tpu.dma_semaphore, #tpu.memory_space<semaphore_mem>>)
    %dma_wait3A_54 = arith.constant 1 : i32
    %dma_wait3A_55 = arith.constant 64 : i32
    %dma_wait3A_56 = tpu.memref_slice %arg6[%dma_wait3A_55] : memref<256xi32, #tpu.memory_space<vmem>> -> memref<64xi32, #tpu.memory_space<vmem>>
    %dma_wait3A_57 = tpu.memref_slice %arg2[%dma_wait3A_54, %mul3A_2] : memref<4x2048xi32, #tpu.memory_space<hbm>> -> memref<1x64xi32, #tpu.memory_space<hbm>>
    %dma_wait3A_58 = tpu.memref_squeeze %dma_wait3A_57 : memref<1x64xi32, #tpu.memory_space<hbm>> -> memref<64xi32, #tpu.memory_space<hbm>>
    %dma_wait3A_59 = arith.constant 64 : i32
    %dma_wait3A_60 = tpu.memref_slice %arg6[%dma_wait3A_59] : memref<256xi32, #tpu.memory_space<vmem>> -> memref<64xi32, #tpu.memory_space<vmem>>
    %dma_wait3A_61 = tpu.memref_slice %arg2[%dma_wait3A_54, %mul3A_2] : memref<4x2048xi32, #tpu.memory_space<hbm>> -> memref<1x64xi32, #tpu.memory_space<hbm>>
    %dma_wait3A_62 = tpu.memref_squeeze %dma_wait3A_61 : memref<1x64xi32, #tpu.memory_space<hbm>> -> memref<64xi32, #tpu.memory_space<hbm>>
    tpu.wait_dma2 semaphore(%arg12 : memref<!tpu.dma_semaphore, #tpu.memory_space<semaphore_mem>>) src(%dma_wait3A_62 : memref<64xi32, #tpu.memory_space<hbm>>) dst(%dma_wait3A_60 : memref<64xi32, #tpu.memory_space<vmem>>)
    %dma_start3A_63 = arith.constant 64 : i32
    %dma_start3A_64 = arith.constant 0 : i32
    %dma_start3A_65 = tpu.memref_slice %arg7[%dma_start3A_63, %dma_start3A_64] : memref<256x128xf32, #tpu.memory_space<vmem>> -> memref<64x128xf32, #tpu.memory_space<vmem>>
    %dma_start3A_66 = arith.constant 64 : i32
    %dma_start3A_67 = tpu.memref_slice %arg6[%dma_start3A_66] : memref<256xi32, #tpu.memory_space<vmem>> -> memref<64xi32, #tpu.memory_space<vmem>>
    %dma_start3A_68 = arith.constant 0 : i32
    %dma_start3A_69 = arith.constant 0 : i32
    %dma_start3A_70 = tpu.memref_slice %arg3[%dma_start3A_68, %dma_start3A_69] : memref<100000x128xf32, #tpu.memory_space<hbm>> -> memref<100000x128xf32, #tpu.memory_space<hbm>>
    tpu.enqueue_indirect_dma source(%dma_start3A_70 : memref<100000x128xf32, #tpu.memory_space<hbm>>) target(%dma_start3A_65 : memref<64x128xf32, #tpu.memory_space<vmem>>) offsets(%dma_start3A_67 : memref<64xi32, #tpu.memory_space<vmem>>) semaphore(%arg9 : memref<!tpu.dma_semaphore, #tpu.memory_space<semaphore_mem>>)
    %dma_wait3A_71 = arith.constant 2 : i32
    %dma_wait3A_72 = arith.constant 128 : i32
    %dma_wait3A_73 = tpu.memref_slice %arg6[%dma_wait3A_72] : memref<256xi32, #tpu.memory_space<vmem>> -> memref<64xi32, #tpu.memory_space<vmem>>
    %dma_wait3A_74 = tpu.memref_slice %arg2[%dma_wait3A_71, %mul3A_2] : memref<4x2048xi32, #tpu.memory_space<hbm>> -> memref<1x64xi32, #tpu.memory_space<hbm>>
    %dma_wait3A_75 = tpu.memref_squeeze %dma_wait3A_74 : memref<1x64xi32, #tpu.memory_space<hbm>> -> memref<64xi32, #tpu.memory_space<hbm>>
    %dma_wait3A_76 = arith.constant 128 : i32
    %dma_wait3A_77 = tpu.memref_slice %arg6[%dma_wait3A_76] : memref<256xi32, #tpu.memory_space<vmem>> -> memref<64xi32, #tpu.memory_space<vmem>>
    %dma_wait3A_78 = tpu.memref_slice %arg2[%dma_wait3A_71, %mul3A_2] : memref<4x2048xi32, #tpu.memory_space<hbm>> -> memref<1x64xi32, #tpu.memory_space<hbm>>
    %dma_wait3A_79 = tpu.memref_squeeze %dma_wait3A_78 : memref<1x64xi32, #tpu.memory_space<hbm>> -> memref<64xi32, #tpu.memory_space<hbm>>
    tpu.wait_dma2 semaphore(%arg12 : memref<!tpu.dma_semaphore, #tpu.memory_space<semaphore_mem>>) src(%dma_wait3A_79 : memref<64xi32, #tpu.memory_space<hbm>>) dst(%dma_wait3A_77 : memref<64xi32, #tpu.memory_space<vmem>>)
    %dma_start3A_80 = arith.constant 128 : i32
    %dma_start3A_81 = arith.constant 0 : i32
    %dma_start3A_82 = tpu.memref_slice %arg7[%dma_start3A_80, %dma_start3A_81] : memref<256x128xf32, #tpu.memory_space<vmem>> -> memref<64x128xf32, #tpu.memory_space<vmem>>
    %dma_start3A_83 = arith.constant 128 : i32
    %dma_start3A_84 = tpu.memref_slice %arg6[%dma_start3A_83] : memref<256xi32, #tpu.memory_space<vmem>> -> memref<64xi32, #tpu.memory_space<vmem>>
    %dma_start3A_85 = arith.constant 0 : i32
    %dma_start3A_86 = arith.constant 0 : i32
    %dma_start3A_87 = tpu.memref_slice %arg3[%dma_start3A_85, %dma_start3A_86] : memref<100000x128xf32, #tpu.memory_space<hbm>> -> memref<100000x128xf32, #tpu.memory_space<hbm>>
    tpu.enqueue_indirect_dma source(%dma_start3A_87 : memref<100000x128xf32, #tpu.memory_space<hbm>>) target(%dma_start3A_82 : memref<64x128xf32, #tpu.memory_space<vmem>>) offsets(%dma_start3A_84 : memref<64xi32, #tpu.memory_space<vmem>>) semaphore(%arg10 : memref<!tpu.dma_semaphore, #tpu.memory_space<semaphore_mem>>)
    %dma_wait3A_88 = arith.constant 3 : i32
    %dma_wait3A_89 = arith.constant 192 : i32
    %dma_wait3A_90 = tpu.memref_slice %arg6[%dma_wait3A_89] : memref<256xi32, #tpu.memory_space<vmem>> -> memref<64xi32, #tpu.memory_space<vmem>>
    %dma_wait3A_91 = tpu.memref_slice %arg2[%dma_wait3A_88, %mul3A_2] : memref<4x2048xi32, #tpu.memory_space<hbm>> -> memref<1x64xi32, #tpu.memory_space<hbm>>
    %dma_wait3A_92 = tpu.memref_squeeze %dma_wait3A_91 : memref<1x64xi32, #tpu.memory_space<hbm>> -> memref<64xi32, #tpu.memory_space<hbm>>
    %dma_wait3A_93 = arith.constant 192 : i32
    %dma_wait3A_94 = tpu.memref_slice %arg6[%dma_wait3A_93] : memref<256xi32, #tpu.memory_space<vmem>> -> memref<64xi32, #tpu.memory_space<vmem>>
    %dma_wait3A_95 = tpu.memref_slice %arg2[%dma_wait3A_88, %mul3A_2] : memref<4x2048xi32, #tpu.memory_space<hbm>> -> memref<1x64xi32, #tpu.memory_space<hbm>>
    %dma_wait3A_96 = tpu.memref_squeeze %dma_wait3A_95 : memref<1x64xi32, #tpu.memory_space<hbm>> -> memref<64xi32, #tpu.memory_space<hbm>>
    tpu.wait_dma2 semaphore(%arg12 : memref<!tpu.dma_semaphore, #tpu.memory_space<semaphore_mem>>) src(%dma_wait3A_96 : memref<64xi32, #tpu.memory_space<hbm>>) dst(%dma_wait3A_94 : memref<64xi32, #tpu.memory_space<vmem>>)
    %dma_start3A_97 = arith.constant 192 : i32
    %dma_start3A_98 = arith.constant 0 : i32
    %dma_start3A_99 = tpu.memref_slice %arg7[%dma_start3A_97, %dma_start3A_98] : memref<256x128xf32, #tpu.memory_space<vmem>> -> memref<64x128xf32, #tpu.memory_space<vmem>>
    %dma_start3A_100 = arith.constant 192 : i32
    %dma_start3A_101 = tpu.memref_slice %arg6[%dma_start3A_100] : memref<256xi32, #tpu.memory_space<vmem>> -> memref<64xi32, #tpu.memory_space<vmem>>
    %dma_start3A_102 = arith.constant 0 : i32
    %dma_start3A_103 = arith.constant 0 : i32
    %dma_start3A_104 = tpu.memref_slice %arg3[%dma_start3A_102, %dma_start3A_103] : memref<100000x128xf32, #tpu.memory_space<hbm>> -> memref<100000x128xf32, #tpu.memory_space<hbm>>
    tpu.enqueue_indirect_dma source(%dma_start3A_104 : memref<100000x128xf32, #tpu.memory_space<hbm>>) target(%dma_start3A_99 : memref<64x128xf32, #tpu.memory_space<vmem>>) offsets(%dma_start3A_101 : memref<64xi32, #tpu.memory_space<vmem>>) semaphore(%arg10 : memref<!tpu.dma_semaphore, #tpu.memory_space<semaphore_mem>>)
    %dma_start3A_105 = arith.constant 0 : i32
    %dma_start3A_106 = tpu.memref_slice %arg4[%mul3A_2, %dma_start3A_105] : memref<2048x128xf32, #tpu.memory_space<hbm>> -> memref<64x128xf32, #tpu.memory_space<hbm>>
    %dma_start3A_107 = arith.constant 0 : i32
    %dma_start3A_108 = tpu.memref_slice %arg4[%mul3A_2, %dma_start3A_107] : memref<2048x128xf32, #tpu.memory_space<hbm>> -> memref<64x128xf32, #tpu.memory_space<hbm>>
    tpu.enqueue_dma source(%dma_start3A_108 : memref<64x128xf32, #tpu.memory_space<hbm>>) target(%arg8 : memref<64x128xf32, #tpu.memory_space<vmem>>) target_semaphore(%arg12 : memref<!tpu.dma_semaphore, #tpu.memory_space<semaphore_mem>>)
    %dma_wait3A_109 = arith.constant 0 : i32
    %dma_wait3A_110 = arith.constant 0 : i32
    %dma_wait3A_111 = tpu.memref_slice %arg7[%dma_wait3A_109, %dma_wait3A_110] : memref<256x128xf32, #tpu.memory_space<vmem>> -> memref<64x128xf32, #tpu.memory_space<vmem>>
    %dma_wait3A_112 = arith.constant 0 : i32
    %dma_wait3A_113 = tpu.memref_slice %arg6[%dma_wait3A_112] : memref<256xi32, #tpu.memory_space<vmem>> -> memref<64xi32, #tpu.memory_space<vmem>>
    %dma_wait3A_114 = arith.constant 0 : i32
    %dma_wait3A_115 = arith.constant 0 : i32
    %dma_wait3A_116 = tpu.memref_slice %arg3[%dma_wait3A_114, %dma_wait3A_115] : memref<100000x128xf32, #tpu.memory_space<hbm>> -> memref<100000x128xf32, #tpu.memory_space<hbm>>
    tpu.wait_indirect_dma semaphore(%arg9 : memref<!tpu.dma_semaphore, #tpu.memory_space<semaphore_mem>>) src(%dma_wait3A_116 : memref<100000x128xf32, #tpu.memory_space<hbm>>) dst(%dma_wait3A_111 : memref<64x128xf32, #tpu.memory_space<vmem>>)
    %dma_wait3A_117 = arith.constant 64 : i32
    %dma_wait3A_118 = arith.constant 0 : i32
    %dma_wait3A_119 = tpu.memref_slice %arg7[%dma_wait3A_117, %dma_wait3A_118] : memref<256x128xf32, #tpu.memory_space<vmem>> -> memref<64x128xf32, #tpu.memory_space<vmem>>
    %dma_wait3A_120 = arith.constant 64 : i32
    %dma_wait3A_121 = tpu.memref_slice %arg6[%dma_wait3A_120] : memref<256xi32, #tpu.memory_space<vmem>> -> memref<64xi32, #tpu.memory_space<vmem>>
    %dma_wait3A_122 = arith.constant 0 : i32
    %dma_wait3A_123 = arith.constant 0 : i32
    %dma_wait3A_124 = tpu.memref_slice %arg3[%dma_wait3A_122, %dma_wait3A_123] : memref<100000x128xf32, #tpu.memory_space<hbm>> -> memref<100000x128xf32, #tpu.memory_space<hbm>>
    tpu.wait_indirect_dma semaphore(%arg9 : memref<!tpu.dma_semaphore, #tpu.memory_space<semaphore_mem>>) src(%dma_wait3A_124 : memref<100000x128xf32, #tpu.memory_space<hbm>>) dst(%dma_wait3A_119 : memref<64x128xf32, #tpu.memory_space<vmem>>)
    %dma_wait3A_125 = arith.constant 0 : i32
    %dma_wait3A_126 = tpu.memref_slice %arg4[%mul3A_2, %dma_wait3A_125] : memref<2048x128xf32, #tpu.memory_space<hbm>> -> memref<64x128xf32, #tpu.memory_space<hbm>>
    %dma_wait3A_127 = arith.constant 0 : i32
    %dma_wait3A_128 = tpu.memref_slice %arg4[%mul3A_2, %dma_wait3A_127] : memref<2048x128xf32, #tpu.memory_space<hbm>> -> memref<64x128xf32, #tpu.memory_space<hbm>>
    tpu.wait_dma2 semaphore(%arg12 : memref<!tpu.dma_semaphore, #tpu.memory_space<semaphore_mem>>) src(%dma_wait3A_128 : memref<64x128xf32, #tpu.memory_space<hbm>>) dst(%arg8 : memref<64x128xf32, #tpu.memory_space<vmem>>)
    %scan3A = arith.constant 0 : i32
    %scan3A_129 = arith.constant 0 : i32
    %scan3A_130 = arith.constant 64 : i32
    %scan3A_131 = arith.addi %scan3A_129, %scan3A_130 : i32
    %scan3A_132 = arith.constant 1 : i32
    scf.for %scan3A_260 = %scan3A_129 to %scan3A_131 step %scan3A_132  : i32 {
      %get3A = arith.index_cast %scan3A_260 : i32 to index
      %get3A_261 = arith.constant 0 : index
      %get3A_262 = tpu.vector_load %arg8[%get3A, %get3A_261] {strides = array<i32>} : memref<64x128xf32, #tpu.memory_space<vmem>>, vector<1x16xf32>,
      %get3A_263 = vector.shape_cast %get3A_262 : vector<1x16xf32> to vector<16xf32>
      %get3A_264 = arith.index_cast %scan3A_260 : i32 to index
      %get3A_265 = arith.constant 16 : index
      %get3A_266 = tpu.vector_load %arg8[%get3A_264, %get3A_265] {strides = array<i32>} : memref<64x128xf32, #tpu.memory_space<vmem>>, vector<1x16xf32>,
      %get3A_267 = vector.shape_cast %get3A_266 : vector<1x16xf32> to vector<16xf32>
      %get3A_268 = arith.index_cast %scan3A_260 : i32 to index
      %get3A_269 = arith.constant 32 : index
      %get3A_270 = tpu.vector_load %arg8[%get3A_268, %get3A_269] {strides = array<i32>} : memref<64x128xf32, #tpu.memory_space<vmem>>, vector<1x16xf32>,
      %get3A_271 = vector.shape_cast %get3A_270 : vector<1x16xf32> to vector<16xf32>
      %get3A_272 = arith.index_cast %scan3A_260 : i32 to index
      %get3A_273 = arith.constant 48 : index
      %get3A_274 = tpu.vector_load %arg8[%get3A_272, %get3A_273] {strides = array<i32>} : memref<64x128xf32, #tpu.memory_space<vmem>>, vector<1x16xf32>,
      %get3A_275 = vector.shape_cast %get3A_274 : vector<1x16xf32> to vector<16xf32>
      %get3A_276 = arith.index_cast %scan3A_260 : i32 to index
      %get3A_277 = arith.constant 64 : index
      %get3A_278 = tpu.vector_load %arg8[%get3A_276, %get3A_277] {strides = array<i32>} : memref<64x128xf32, #tpu.memory_space<vmem>>, vector<1x16xf32>,
      %get3A_279 = vector.shape_cast %get3A_278 : vector<1x16xf32> to vector<16xf32>
      %get3A_280 = arith.index_cast %scan3A_260 : i32 to index
      %get3A_281 = arith.constant 80 : index
      %get3A_282 = tpu.vector_load %arg8[%get3A_280, %get3A_281] {strides = array<i32>} : memref<64x128xf32, #tpu.memory_space<vmem>>, vector<1x16xf32>,
      %get3A_283 = vector.shape_cast %get3A_282 : vector<1x16xf32> to vector<16xf32>
      %get3A_284 = arith.index_cast %scan3A_260 : i32 to index
      %get3A_285 = arith.constant 96 : index
      %get3A_286 = tpu.vector_load %arg8[%get3A_284, %get3A_285] {strides = array<i32>} : memref<64x128xf32, #tpu.memory_space<vmem>>, vector<1x16xf32>,
      %get3A_287 = vector.shape_cast %get3A_286 : vector<1x16xf32> to vector<16xf32>
      %get3A_288 = arith.index_cast %scan3A_260 : i32 to index
      %get3A_289 = arith.constant 112 : index
      %get3A_290 = tpu.vector_load %arg8[%get3A_288, %get3A_289] {strides = array<i32>} : memref<64x128xf32, #tpu.memory_space<vmem>>, vector<1x16xf32>,
      %get3A_291 = vector.shape_cast %get3A_290 : vector<1x16xf32> to vector<16xf32>
      %add3A_292 = arith.constant 0 : i32
      %add3A_293 = arith.addi %add3A_292, %scan3A_260 : i32
      %get3A_294 = arith.index_cast %add3A_293 : i32 to index
      %get3A_295 = arith.constant 0 : index
      %get3A_296 = tpu.vector_load %arg7[%get3A_294, %get3A_295] {strides = array<i32>} : memref<256x128xf32, #tpu.memory_space<vmem>>, vector<1x16xf32>,
      %get3A_297 = vector.shape_cast %get3A_296 : vector<1x16xf32> to vector<16xf32>
      %add3A_298 = arith.addf %get3A_297, %get3A_263 : vector<16xf32>
      %add3A_299 = arith.constant 0 : i32
      %add3A_300 = arith.addi %add3A_299, %scan3A_260 : i32
      %swap3A = arith.index_cast %add3A_300 : i32 to index
      %swap3A_301 = arith.constant 0 : index
      %swap3A_302 = tpu.vector_load %arg7[%swap3A, %swap3A_301] {strides = array<i32>} : memref<256x128xf32, #tpu.memory_space<vmem>>, vector<1x16xf32>,
      %swap3A_303 = vector.shape_cast %swap3A_302 : vector<1x16xf32> to vector<16xf32>
      %swap3A_304 = vector.shape_cast %add3A_298 : vector<16xf32> to vector<1x16xf32>
      tpu.vector_store %arg7[%swap3A, %swap3A_301], %swap3A_304 {strides = array<i32>} : memref<256x128xf32, #tpu.memory_space<vmem>>, vector<1x16xf32>,
      %add3A_305 = arith.constant 0 : i32
      %add3A_306 = arith.addi %add3A_305, %scan3A_260 : i32
      %get3A_307 = arith.index_cast %add3A_306 : i32 to index
      %get3A_308 = arith.constant 16 : index
      %get3A_309 = tpu.vector_load %arg7[%get3A_307, %get3A_308] {strides = array<i32>} : memref<256x128xf32, #tpu.memory_space<vmem>>, vector<1x16xf32>,
      %get3A_310 = vector.shape_cast %get3A_309 : vector<1x16xf32> to vector<16xf32>
      %add3A_311 = arith.addf %get3A_310, %get3A_267 : vector<16xf32>
      %add3A_312 = arith.constant 0 : i32
      %add3A_313 = arith.addi %add3A_312, %scan3A_260 : i32
      %swap3A_314 = arith.index_cast %add3A_313 : i32 to index
      %swap3A_315 = arith.constant 16 : index
      %swap3A_316 = tpu.vector_load %arg7[%swap3A_314, %swap3A_315] {strides = array<i32>} : memref<256x128xf32, #tpu.memory_space<vmem>>, vector<1x16xf32>,
      %swap3A_317 = vector.shape_cast %swap3A_316 : vector<1x16xf32> to vector<16xf32>
      %swap3A_318 = vector.shape_cast %add3A_311 : vector<16xf32> to vector<1x16xf32>
      tpu.vector_store %arg7[%swap3A_314, %swap3A_315], %swap3A_318 {strides = array<i32>} : memref<256x128xf32, #tpu.memory_space<vmem>>, vector<1x16xf32>,
      %add3A_319 = arith.constant 0 : i32
      %add3A_320 = arith.addi %add3A_319, %scan3A_260 : i32
      %get3A_321 = arith.index_cast %add3A_320 : i32 to index
      %get3A_322 = arith.constant 32 : index
      %get3A_323 = tpu.vector_load %arg7[%get3A_321, %get3A_322] {strides = array<i32>} : memref<256x128xf32, #tpu.memory_space<vmem>>, vector<1x16xf32>,
      %get3A_324 = vector.shape_cast %get3A_323 : vector<1x16xf32> to vector<16xf32>
      %add3A_325 = arith.addf %get3A_324, %get3A_271 : vector<16xf32>
      %add3A_326 = arith.constant 0 : i32
      %add3A_327 = arith.addi %add3A_326, %scan3A_260 : i32
      %swap3A_328 = arith.index_cast %add3A_327 : i32 to index
      %swap3A_329 = arith.constant 32 : index
      %swap3A_330 = tpu.vector_load %arg7[%swap3A_328, %swap3A_329] {strides = array<i32>} : memref<256x128xf32, #tpu.memory_space<vmem>>, vector<1x16xf32>,
      %swap3A_331 = vector.shape_cast %swap3A_330 : vector<1x16xf32> to vector<16xf32>
      %swap3A_332 = vector.shape_cast %add3A_325 : vector<16xf32> to vector<1x16xf32>
      tpu.vector_store %arg7[%swap3A_328, %swap3A_329], %swap3A_332 {strides = array<i32>} : memref<256x128xf32, #tpu.memory_space<vmem>>, vector<1x16xf32>,
      %add3A_333 = arith.constant 0 : i32
      %add3A_334 = arith.addi %add3A_333, %scan3A_260 : i32
      %get3A_335 = arith.index_cast %add3A_334 : i32 to index
      %get3A_336 = arith.constant 48 : index
      %get3A_337 = tpu.vector_load %arg7[%get3A_335, %get3A_336] {strides = array<i32>} : memref<256x128xf32, #tpu.memory_space<vmem>>, vector<1x16xf32>,
      %get3A_338 = vector.shape_cast %get3A_337 : vector<1x16xf32> to vector<16xf32>
      %add3A_339 = arith.addf %get3A_338, %get3A_275 : vector<16xf32>
      %add3A_340 = arith.constant 0 : i32
      %add3A_341 = arith.addi %add3A_340, %scan3A_260 : i32
      %swap3A_342 = arith.index_cast %add3A_341 : i32 to index
      %swap3A_343 = arith.constant 48 : index
      %swap3A_344 = tpu.vector_load %arg7[%swap3A_342, %swap3A_343] {strides = array<i32>} : memref<256x128xf32, #tpu.memory_space<vmem>>, vector<1x16xf32>,
      %swap3A_345 = vector.shape_cast %swap3A_344 : vector<1x16xf32> to vector<16xf32>
      %swap3A_346 = vector.shape_cast %add3A_339 : vector<16xf32> to vector<1x16xf32>
      tpu.vector_store %arg7[%swap3A_342, %swap3A_343], %swap3A_346 {strides = array<i32>} : memref<256x128xf32, #tpu.memory_space<vmem>>, vector<1x16xf32>,
      %add3A_347 = arith.constant 0 : i32
      %add3A_348 = arith.addi %add3A_347, %scan3A_260 : i32
      %get3A_349 = arith.index_cast %add3A_348 : i32 to index
      %get3A_350 = arith.constant 64 : index
      %get3A_351 = tpu.vector_load %arg7[%get3A_349, %get3A_350] {strides = array<i32>} : memref<256x128xf32, #tpu.memory_space<vmem>>, vector<1x16xf32>,
      %get3A_352 = vector.shape_cast %get3A_351 : vector<1x16xf32> to vector<16xf32>
      %add3A_353 = arith.addf %get3A_352, %get3A_279 : vector<16xf32>
      %add3A_354 = arith.constant 0 : i32
      %add3A_355 = arith.addi %add3A_354, %scan3A_260 : i32
      %swap3A_356 = arith.index_cast %add3A_355 : i32 to index
      %swap3A_357 = arith.constant 64 : index
      %swap3A_358 = tpu.vector_load %arg7[%swap3A_356, %swap3A_357] {strides = array<i32>} : memref<256x128xf32, #tpu.memory_space<vmem>>, vector<1x16xf32>,
      %swap3A_359 = vector.shape_cast %swap3A_358 : vector<1x16xf32> to vector<16xf32>
      %swap3A_360 = vector.shape_cast %add3A_353 : vector<16xf32> to vector<1x16xf32>
      tpu.vector_store %arg7[%swap3A_356, %swap3A_357], %swap3A_360 {strides = array<i32>} : memref<256x128xf32, #tpu.memory_space<vmem>>, vector<1x16xf32>,
      %add3A_361 = arith.constant 0 : i32
      %add3A_362 = arith.addi %add3A_361, %scan3A_260 : i32
      %get3A_363 = arith.index_cast %add3A_362 : i32 to index
      %get3A_364 = arith.constant 80 : index
      %get3A_365 = tpu.vector_load %arg7[%get3A_363, %get3A_364] {strides = array<i32>} : memref<256x128xf32, #tpu.memory_space<vmem>>, vector<1x16xf32>,
      %get3A_366 = vector.shape_cast %get3A_365 : vector<1x16xf32> to vector<16xf32>
      %add3A_367 = arith.addf %get3A_366, %get3A_283 : vector<16xf32>
      %add3A_368 = arith.constant 0 : i32
      %add3A_369 = arith.addi %add3A_368, %scan3A_260 : i32
      %swap3A_370 = arith.index_cast %add3A_369 : i32 to index
      %swap3A_371 = arith.constant 80 : index
      %swap3A_372 = tpu.vector_load %arg7[%swap3A_370, %swap3A_371] {strides = array<i32>} : memref<256x128xf32, #tpu.memory_space<vmem>>, vector<1x16xf32>,
      %swap3A_373 = vector.shape_cast %swap3A_372 : vector<1x16xf32> to vector<16xf32>
      %swap3A_374 = vector.shape_cast %add3A_367 : vector<16xf32> to vector<1x16xf32>
      tpu.vector_store %arg7[%swap3A_370, %swap3A_371], %swap3A_374 {strides = array<i32>} : memref<256x128xf32, #tpu.memory_space<vmem>>, vector<1x16xf32>,
      %add3A_375 = arith.constant 0 : i32
      %add3A_376 = arith.addi %add3A_375, %scan3A_260 : i32
      %get3A_377 = arith.index_cast %add3A_376 : i32 to index
      %get3A_378 = arith.constant 96 : index
      %get3A_379 = tpu.vector_load %arg7[%get3A_377, %get3A_378] {strides = array<i32>} : memref<256x128xf32, #tpu.memory_space<vmem>>, vector<1x16xf32>,
      %get3A_380 = vector.shape_cast %get3A_379 : vector<1x16xf32> to vector<16xf32>
      %add3A_381 = arith.addf %get3A_380, %get3A_287 : vector<16xf32>
      %add3A_382 = arith.constant 0 : i32
      %add3A_383 = arith.addi %add3A_382, %scan3A_260 : i32
      %swap3A_384 = arith.index_cast %add3A_383 : i32 to index
      %swap3A_385 = arith.constant 96 : index
      %swap3A_386 = tpu.vector_load %arg7[%swap3A_384, %swap3A_385] {strides = array<i32>} : memref<256x128xf32, #tpu.memory_space<vmem>>, vector<1x16xf32>,
      %swap3A_387 = vector.shape_cast %swap3A_386 : vector<1x16xf32> to vector<16xf32>
      %swap3A_388 = vector.shape_cast %add3A_381 : vector<16xf32> to vector<1x16xf32>
      tpu.vector_store %arg7[%swap3A_384, %swap3A_385], %swap3A_388 {strides = array<i32>} : memref<256x128xf32, #tpu.memory_space<vmem>>, vector<1x16xf32>,
      %add3A_389 = arith.constant 0 : i32
      %add3A_390 = arith.addi %add3A_389, %scan3A_260 : i32
      %get3A_391 = arith.index_cast %add3A_390 : i32 to index
      %get3A_392 = arith.constant 112 : index
      %get3A_393 = tpu.vector_load %arg7[%get3A_391, %get3A_392] {strides = array<i32>} : memref<256x128xf32, #tpu.memory_space<vmem>>, vector<1x16xf32>,
      %get3A_394 = vector.shape_cast %get3A_393 : vector<1x16xf32> to vector<16xf32>
      %add3A_395 = arith.addf %get3A_394, %get3A_291 : vector<16xf32>
      %add3A_396 = arith.constant 0 : i32
      %add3A_397 = arith.addi %add3A_396, %scan3A_260 : i32
      %swap3A_398 = arith.index_cast %add3A_397 : i32 to index
      %swap3A_399 = arith.constant 112 : index
      %swap3A_400 = tpu.vector_load %arg7[%swap3A_398, %swap3A_399] {strides = array<i32>} : memref<256x128xf32, #tpu.memory_space<vmem>>, vector<1x16xf32>,
      %swap3A_401 = vector.shape_cast %swap3A_400 : vector<1x16xf32> to vector<16xf32>
      %swap3A_402 = vector.shape_cast %add3A_395 : vector<16xf32> to vector<1x16xf32>
      tpu.vector_store %arg7[%swap3A_398, %swap3A_399], %swap3A_402 {strides = array<i32>} : memref<256x128xf32, #tpu.memory_space<vmem>>, vector<1x16xf32>,
      %add3A_403 = arith.constant 64 : i32
      %add3A_404 = arith.addi %add3A_403, %scan3A_260 : i32
      %get3A_405 = arith.index_cast %add3A_404 : i32 to index
      %get3A_406 = arith.constant 0 : index
      %get3A_407 = tpu.vector_load %arg7[%get3A_405, %get3A_406] {strides = array<i32>} : memref<256x128xf32, #tpu.memory_space<vmem>>, vector<1x16xf32>,
      %get3A_408 = vector.shape_cast %get3A_407 : vector<1x16xf32> to vector<16xf32>
      %add3A_409 = arith.addf %get3A_408, %get3A_263 : vector<16xf32>
      %add3A_410 = arith.constant 64 : i32
      %add3A_411 = arith.addi %add3A_410, %scan3A_260 : i32
      %swap3A_412 = arith.index_cast %add3A_411 : i32 to index
      %swap3A_413 = arith.constant 0 : index
      %swap3A_414 = tpu.vector_load %arg7[%swap3A_412, %swap3A_413] {strides = array<i32>} : memref<256x128xf32, #tpu.memory_space<vmem>>, vector<1x16xf32>,
      %swap3A_415 = vector.shape_cast %swap3A_414 : vector<1x16xf32> to vector<16xf32>
      %swap3A_416 = vector.shape_cast %add3A_409 : vector<16xf32> to vector<1x16xf32>
      tpu.vector_store %arg7[%swap3A_412, %swap3A_413], %swap3A_416 {strides = array<i32>} : memref<256x128xf32, #tpu.memory_space<vmem>>, vector<1x16xf32>,
      %add3A_417 = arith.constant 64 : i32
      %add3A_418 = arith.addi %add3A_417, %scan3A_260 : i32
      %get3A_419 = arith.index_cast %add3A_418 : i32 to index
      %get3A_420 = arith.constant 16 : index
      %get3A_421 = tpu.vector_load %arg7[%get3A_419, %get3A_420] {strides = array<i32>} : memref<256x128xf32, #tpu.memory_space<vmem>>, vector<1x16xf32>,
      %get3A_422 = vector.shape_cast %get3A_421 : vector<1x16xf32> to vector<16xf32>
      %add3A_423 = arith.addf %get3A_422, %get3A_267 : vector<16xf32>
      %add3A_424 = arith.constant 64 : i32
      %add3A_425 = arith.addi %add3A_424, %scan3A_260 : i32
      %swap3A_426 = arith.index_cast %add3A_425 : i32 to index
      %swap3A_427 = arith.constant 16 : index
      %swap3A_428 = tpu.vector_load %arg7[%swap3A_426, %swap3A_427] {strides = array<i32>} : memref<256x128xf32, #tpu.memory_space<vmem>>, vector<1x16xf32>,
      %swap3A_429 = vector.shape_cast %swap3A_428 : vector<1x16xf32> to vector<16xf32>
      %swap3A_430 = vector.shape_cast %add3A_423 : vector<16xf32> to vector<1x16xf32>
      tpu.vector_store %arg7[%swap3A_426, %swap3A_427], %swap3A_430 {strides = array<i32>} : memref<256x128xf32, #tpu.memory_space<vmem>>, vector<1x16xf32>,
      %add3A_431 = arith.constant 64 : i32
      %add3A_432 = arith.addi %add3A_431, %scan3A_260 : i32
      %get3A_433 = arith.index_cast %add3A_432 : i32 to index
      %get3A_434 = arith.constant 32 : index
      %get3A_435 = tpu.vector_load %arg7[%get3A_433, %get3A_434] {strides = array<i32>} : memref<256x128xf32, #tpu.memory_space<vmem>>, vector<1x16xf32>,
      %get3A_436 = vector.shape_cast %get3A_435 : vector<1x16xf32> to vector<16xf32>
      %add3A_437 = arith.addf %get3A_436, %get3A_271 : vector<16xf32>
      %add3A_438 = arith.constant 64 : i32
      %add3A_439 = arith.addi %add3A_438, %scan3A_260 : i32
      %swap3A_440 = arith.index_cast %add3A_439 : i32 to index
      %swap3A_441 = arith.constant 32 : index
      %swap3A_442 = tpu.vector_load %arg7[%swap3A_440, %swap3A_441] {strides = array<i32>} : memref<256x128xf32, #tpu.memory_space<vmem>>, vector<1x16xf32>,
      %swap3A_443 = vector.shape_cast %swap3A_442 : vector<1x16xf32> to vector<16xf32>
      %swap3A_444 = vector.shape_cast %add3A_437 : vector<16xf32> to vector<1x16xf32>
      tpu.vector_store %arg7[%swap3A_440, %swap3A_441], %swap3A_444 {strides = array<i32>} : memref<256x128xf32, #tpu.memory_space<vmem>>, vector<1x16xf32>,
      %add3A_445 = arith.constant 64 : i32
      %add3A_446 = arith.addi %add3A_445, %scan3A_260 : i32
      %get3A_447 = arith.index_cast %add3A_446 : i32 to index
      %get3A_448 = arith.constant 48 : index
      %get3A_449 = tpu.vector_load %arg7[%get3A_447, %get3A_448] {strides = array<i32>} : memref<256x128xf32, #tpu.memory_space<vmem>>, vector<1x16xf32>,
      %get3A_450 = vector.shape_cast %get3A_449 : vector<1x16xf32> to vector<16xf32>
      %add3A_451 = arith.addf %get3A_450, %get3A_275 : vector<16xf32>
      %add3A_452 = arith.constant 64 : i32
      %add3A_453 = arith.addi %add3A_452, %scan3A_260 : i32
      %swap3A_454 = arith.index_cast %add3A_453 : i32 to index
      %swap3A_455 = arith.constant 48 : index
      %swap3A_456 = tpu.vector_load %arg7[%swap3A_454, %swap3A_455] {strides = array<i32>} : memref<256x128xf32, #tpu.memory_space<vmem>>, vector<1x16xf32>,
      %swap3A_457 = vector.shape_cast %swap3A_456 : vector<1x16xf32> to vector<16xf32>
      %swap3A_458 = vector.shape_cast %add3A_451 : vector<16xf32> to vector<1x16xf32>
      tpu.vector_store %arg7[%swap3A_454, %swap3A_455], %swap3A_458 {strides = array<i32>} : memref<256x128xf32, #tpu.memory_space<vmem>>, vector<1x16xf32>,
      %add3A_459 = arith.constant 64 : i32
      %add3A_460 = arith.addi %add3A_459, %scan3A_260 : i32
      %get3A_461 = arith.index_cast %add3A_460 : i32 to index
      %get3A_462 = arith.constant 64 : index
      %get3A_463 = tpu.vector_load %arg7[%get3A_461, %get3A_462] {strides = array<i32>} : memref<256x128xf32, #tpu.memory_space<vmem>>, vector<1x16xf32>,
      %get3A_464 = vector.shape_cast %get3A_463 : vector<1x16xf32> to vector<16xf32>
      %add3A_465 = arith.addf %get3A_464, %get3A_279 : vector<16xf32>
      %add3A_466 = arith.constant 64 : i32
      %add3A_467 = arith.addi %add3A_466, %scan3A_260 : i32
      %swap3A_468 = arith.index_cast %add3A_467 : i32 to index
      %swap3A_469 = arith.constant 64 : index
      %swap3A_470 = tpu.vector_load %arg7[%swap3A_468, %swap3A_469] {strides = array<i32>} : memref<256x128xf32, #tpu.memory_space<vmem>>, vector<1x16xf32>,
      %swap3A_471 = vector.shape_cast %swap3A_470 : vector<1x16xf32> to vector<16xf32>
      %swap3A_472 = vector.shape_cast %add3A_465 : vector<16xf32> to vector<1x16xf32>
      tpu.vector_store %arg7[%swap3A_468, %swap3A_469], %swap3A_472 {strides = array<i32>} : memref<256x128xf32, #tpu.memory_space<vmem>>, vector<1x16xf32>,
      %add3A_473 = arith.constant 64 : i32
      %add3A_474 = arith.addi %add3A_473, %scan3A_260 : i32
      %get3A_475 = arith.index_cast %add3A_474 : i32 to index
      %get3A_476 = arith.constant 80 : index
      %get3A_477 = tpu.vector_load %arg7[%get3A_475, %get3A_476] {strides = array<i32>} : memref<256x128xf32, #tpu.memory_space<vmem>>, vector<1x16xf32>,
      %get3A_478 = vector.shape_cast %get3A_477 : vector<1x16xf32> to vector<16xf32>
      %add3A_479 = arith.addf %get3A_478, %get3A_283 : vector<16xf32>
      %add3A_480 = arith.constant 64 : i32
      %add3A_481 = arith.addi %add3A_480, %scan3A_260 : i32
      %swap3A_482 = arith.index_cast %add3A_481 : i32 to index
      %swap3A_483 = arith.constant 80 : index
      %swap3A_484 = tpu.vector_load %arg7[%swap3A_482, %swap3A_483] {strides = array<i32>} : memref<256x128xf32, #tpu.memory_space<vmem>>, vector<1x16xf32>,
      %swap3A_485 = vector.shape_cast %swap3A_484 : vector<1x16xf32> to vector<16xf32>
      %swap3A_486 = vector.shape_cast %add3A_479 : vector<16xf32> to vector<1x16xf32>
      tpu.vector_store %arg7[%swap3A_482, %swap3A_483], %swap3A_486 {strides = array<i32>} : memref<256x128xf32, #tpu.memory_space<vmem>>, vector<1x16xf32>,
      %add3A_487 = arith.constant 64 : i32
      %add3A_488 = arith.addi %add3A_487, %scan3A_260 : i32
      %get3A_489 = arith.index_cast %add3A_488 : i32 to index
      %get3A_490 = arith.constant 96 : index
      %get3A_491 = tpu.vector_load %arg7[%get3A_489, %get3A_490] {strides = array<i32>} : memref<256x128xf32, #tpu.memory_space<vmem>>, vector<1x16xf32>,
      %get3A_492 = vector.shape_cast %get3A_491 : vector<1x16xf32> to vector<16xf32>
      %add3A_493 = arith.addf %get3A_492, %get3A_287 : vector<16xf32>
      %add3A_494 = arith.constant 64 : i32
      %add3A_495 = arith.addi %add3A_494, %scan3A_260 : i32
      %swap3A_496 = arith.index_cast %add3A_495 : i32 to index
      %swap3A_497 = arith.constant 96 : index
      %swap3A_498 = tpu.vector_load %arg7[%swap3A_496, %swap3A_497] {strides = array<i32>} : memref<256x128xf32, #tpu.memory_space<vmem>>, vector<1x16xf32>,
      %swap3A_499 = vector.shape_cast %swap3A_498 : vector<1x16xf32> to vector<16xf32>
      %swap3A_500 = vector.shape_cast %add3A_493 : vector<16xf32> to vector<1x16xf32>
      tpu.vector_store %arg7[%swap3A_496, %swap3A_497], %swap3A_500 {strides = array<i32>} : memref<256x128xf32, #tpu.memory_space<vmem>>, vector<1x16xf32>,
      %add3A_501 = arith.constant 64 : i32
      %add3A_502 = arith.addi %add3A_501, %scan3A_260 : i32
      %get3A_503 = arith.index_cast %add3A_502 : i32 to index
      %get3A_504 = arith.constant 112 : index
      %get3A_505 = tpu.vector_load %arg7[%get3A_503, %get3A_504] {strides = array<i32>} : memref<256x128xf32, #tpu.memory_space<vmem>>, vector<1x16xf32>,
      %get3A_506 = vector.shape_cast %get3A_505 : vector<1x16xf32> to vector<16xf32>
      %add3A_507 = arith.addf %get3A_506, %get3A_291 : vector<16xf32>
      %add3A_508 = arith.constant 64 : i32
      %add3A_509 = arith.addi %add3A_508, %scan3A_260 : i32
      %swap3A_510 = arith.index_cast %add3A_509 : i32 to index
      %swap3A_511 = arith.constant 112 : index
      %swap3A_512 = tpu.vector_load %arg7[%swap3A_510, %swap3A_511] {strides = array<i32>} : memref<256x128xf32, #tpu.memory_space<vmem>>, vector<1x16xf32>,
      %swap3A_513 = vector.shape_cast %swap3A_512 : vector<1x16xf32> to vector<16xf32>
      %swap3A_514 = vector.shape_cast %add3A_507 : vector<16xf32> to vector<1x16xf32>
      tpu.vector_store %arg7[%swap3A_510, %swap3A_511], %swap3A_514 {strides = array<i32>} : memref<256x128xf32, #tpu.memory_space<vmem>>, vector<1x16xf32>,
    }
    %scan3A_133 = arith.constant 64 : i32
    %dma_start3A_134 = arith.constant 0 : i32
    %dma_start3A_135 = arith.constant 0 : i32
    %dma_start3A_136 = arith.constant 0 : i32
    %dma_start3A_137 = tpu.memref_slice %arg7[%dma_start3A_135, %dma_start3A_136] : memref<256x128xf32, #tpu.memory_space<vmem>> -> memref<64x128xf32, #tpu.memory_space<vmem>>
    %dma_start3A_138 = arith.constant 0 : i32
    %dma_start3A_139 = tpu.memref_slice %arg5[%dma_start3A_134, %mul3A_2, %dma_start3A_138] : memref<4x2048x128xf32, #tpu.memory_space<hbm>> -> memref<1x64x128xf32, #tpu.memory_space<hbm>>
    %dma_start3A_140 = tpu.memref_squeeze %dma_start3A_139 : memref<1x64x128xf32, #tpu.memory_space<hbm>> -> memref<64x128xf32, #tpu.memory_space<hbm>>
    %dma_start3A_141 = arith.constant 0 : i32
    %dma_start3A_142 = tpu.memref_slice %arg5[%dma_start3A_134, %mul3A_2, %dma_start3A_141] : memref<4x2048x128xf32, #tpu.memory_space<hbm>> -> memref<1x64x128xf32, #tpu.memory_space<hbm>>
    %dma_start3A_143 = tpu.memref_squeeze %dma_start3A_142 : memref<1x64x128xf32, #tpu.memory_space<hbm>> -> memref<64x128xf32, #tpu.memory_space<hbm>>
    %dma_start3A_144 = arith.constant 0 : i32
    %dma_start3A_145 = arith.constant 0 : i32
    %dma_start3A_146 = tpu.memref_slice %arg7[%dma_start3A_144, %dma_start3A_145] : memref<256x128xf32, #tpu.memory_space<vmem>> -> memref<64x128xf32, #tpu.memory_space<vmem>>
    tpu.enqueue_dma source(%dma_start3A_146 : memref<64x128xf32, #tpu.memory_space<vmem>>) target(%dma_start3A_143 : memref<64x128xf32, #tpu.memory_space<hbm>>) target_semaphore(%arg11 : memref<!tpu.dma_semaphore, #tpu.memory_space<semaphore_mem>>)
    %dma_start3A_147 = arith.constant 1 : i32
    %dma_start3A_148 = arith.constant 64 : i32
    %dma_start3A_149 = arith.constant 0 : i32
    %dma_start3A_150 = tpu.memref_slice %arg7[%dma_start3A_148, %dma_start3A_149] : memref<256x128xf32, #tpu.memory_space<vmem>> -> memref<64x128xf32, #tpu.memory_space<vmem>>
    %dma_start3A_151 = arith.constant 0 : i32
    %dma_start3A_152 = tpu.memref_slice %arg5[%dma_start3A_147, %mul3A_2, %dma_start3A_151] : memref<4x2048x128xf32, #tpu.memory_space<hbm>> -> memref<1x64x128xf32, #tpu.memory_space<hbm>>
    %dma_start3A_153 = tpu.memref_squeeze %dma_start3A_152 : memref<1x64x128xf32, #tpu.memory_space<hbm>> -> memref<64x128xf32, #tpu.memory_space<hbm>>
    %dma_start3A_154 = arith.constant 0 : i32
    %dma_start3A_155 = tpu.memref_slice %arg5[%dma_start3A_147, %mul3A_2, %dma_start3A_154] : memref<4x2048x128xf32, #tpu.memory_space<hbm>> -> memref<1x64x128xf32, #tpu.memory_space<hbm>>
    %dma_start3A_156 = tpu.memref_squeeze %dma_start3A_155 : memref<1x64x128xf32, #tpu.memory_space<hbm>> -> memref<64x128xf32, #tpu.memory_space<hbm>>
    %dma_start3A_157 = arith.constant 64 : i32
    %dma_start3A_158 = arith.constant 0 : i32
    %dma_start3A_159 = tpu.memref_slice %arg7[%dma_start3A_157, %dma_start3A_158] : memref<256x128xf32, #tpu.memory_space<vmem>> -> memref<64x128xf32, #tpu.memory_space<vmem>>
    tpu.enqueue_dma source(%dma_start3A_159 : memref<64x128xf32, #tpu.memory_space<vmem>>) target(%dma_start3A_156 : memref<64x128xf32, #tpu.memory_space<hbm>>) target_semaphore(%arg11 : memref<!tpu.dma_semaphore, #tpu.memory_space<semaphore_mem>>)
    %dma_wait3A_160 = arith.constant 128 : i32
    %dma_wait3A_161 = arith.constant 0 : i32
    %dma_wait3A_162 = tpu.memref_slice %arg7[%dma_wait3A_160, %dma_wait3A_161] : memref<256x128xf32, #tpu.memory_space<vmem>> -> memref<64x128xf32, #tpu.memory_space<vmem>>
    %dma_wait3A_163 = arith.constant 128 : i32
    %dma_wait3A_164 = tpu.memref_slice %arg6[%dma_wait3A_163] : memref<256xi32, #tpu.memory_space<vmem>> -> memref<64xi32, #tpu.memory_space<vmem>>
    %dma_wait3A_165 = arith.constant 0 : i32
    %dma_wait3A_166 = arith.constant 0 : i32
    %dma_wait3A_167 = tpu.memref_slice %arg3[%dma_wait3A_165, %dma_wait3A_166] : memref<100000x128xf32, #tpu.memory_space<hbm>> -> memref<100000x128xf32, #tpu.memory_space<hbm>>
    tpu.wait_indirect_dma semaphore(%arg10 : memref<!tpu.dma_semaphore, #tpu.memory_space<semaphore_mem>>) src(%dma_wait3A_167 : memref<100000x128xf32, #tpu.memory_space<hbm>>) dst(%dma_wait3A_162 : memref<64x128xf32, #tpu.memory_space<vmem>>)
    %dma_wait3A_168 = arith.constant 192 : i32
    %dma_wait3A_169 = arith.constant 0 : i32
    %dma_wait3A_170 = tpu.memref_slice %arg7[%dma_wait3A_168, %dma_wait3A_169] : memref<256x128xf32, #tpu.memory_space<vmem>> -> memref<64x128xf32, #tpu.memory_space<vmem>>
    %dma_wait3A_171 = arith.constant 192 : i32
    %dma_wait3A_172 = tpu.memref_slice %arg6[%dma_wait3A_171] : memref<256xi32, #tpu.memory_space<vmem>> -> memref<64xi32, #tpu.memory_space<vmem>>
    %dma_wait3A_173 = arith.constant 0 : i32
    %dma_wait3A_174 = arith.constant 0 : i32
    %dma_wait3A_175 = tpu.memref_slice %arg3[%dma_wait3A_173, %dma_wait3A_174] : memref<100000x128xf32, #tpu.memory_space<hbm>> -> memref<100000x128xf32, #tpu.memory_space<hbm>>
    tpu.wait_indirect_dma semaphore(%arg10 : memref<!tpu.dma_semaphore, #tpu.memory_space<semaphore_mem>>) src(%dma_wait3A_175 : memref<100000x128xf32, #tpu.memory_space<hbm>>) dst(%dma_wait3A_170 : memref<64x128xf32, #tpu.memory_space<vmem>>)
    %scan3A_176 = arith.constant 0 : i32
    %scan3A_177 = arith.constant 0 : i32
    %scan3A_178 = arith.constant 64 : i32
    %scan3A_179 = arith.addi %scan3A_177, %scan3A_178 : i32
    %scan3A_180 = arith.constant 1 : i32
    scf.for %scan3A_260 = %scan3A_177 to %scan3A_179 step %scan3A_180  : i32 {
      %get3A = arith.index_cast %scan3A_260 : i32 to index
      %get3A_261 = arith.constant 0 : index
      %get3A_262 = tpu.vector_load %arg8[%get3A, %get3A_261] {strides = array<i32>} : memref<64x128xf32, #tpu.memory_space<vmem>>, vector<1x16xf32>,
      %get3A_263 = vector.shape_cast %get3A_262 : vector<1x16xf32> to vector<16xf32>
      %get3A_264 = arith.index_cast %scan3A_260 : i32 to index
      %get3A_265 = arith.constant 16 : index
      %get3A_266 = tpu.vector_load %arg8[%get3A_264, %get3A_265] {strides = array<i32>} : memref<64x128xf32, #tpu.memory_space<vmem>>, vector<1x16xf32>,
      %get3A_267 = vector.shape_cast %get3A_266 : vector<1x16xf32> to vector<16xf32>
      %get3A_268 = arith.index_cast %scan3A_260 : i32 to index
      %get3A_269 = arith.constant 32 : index
      %get3A_270 = tpu.vector_load %arg8[%get3A_268, %get3A_269] {strides = array<i32>} : memref<64x128xf32, #tpu.memory_space<vmem>>, vector<1x16xf32>,
      %get3A_271 = vector.shape_cast %get3A_270 : vector<1x16xf32> to vector<16xf32>
      %get3A_272 = arith.index_cast %scan3A_260 : i32 to index
      %get3A_273 = arith.constant 48 : index
      %get3A_274 = tpu.vector_load %arg8[%get3A_272, %get3A_273] {strides = array<i32>} : memref<64x128xf32, #tpu.memory_space<vmem>>, vector<1x16xf32>,
      %get3A_275 = vector.shape_cast %get3A_274 : vector<1x16xf32> to vector<16xf32>
      %get3A_276 = arith.index_cast %scan3A_260 : i32 to index
      %get3A_277 = arith.constant 64 : index
      %get3A_278 = tpu.vector_load %arg8[%get3A_276, %get3A_277] {strides = array<i32>} : memref<64x128xf32, #tpu.memory_space<vmem>>, vector<1x16xf32>,
      %get3A_279 = vector.shape_cast %get3A_278 : vector<1x16xf32> to vector<16xf32>
      %get3A_280 = arith.index_cast %scan3A_260 : i32 to index
      %get3A_281 = arith.constant 80 : index
      %get3A_282 = tpu.vector_load %arg8[%get3A_280, %get3A_281] {strides = array<i32>} : memref<64x128xf32, #tpu.memory_space<vmem>>, vector<1x16xf32>,
      %get3A_283 = vector.shape_cast %get3A_282 : vector<1x16xf32> to vector<16xf32>
      %get3A_284 = arith.index_cast %scan3A_260 : i32 to index
      %get3A_285 = arith.constant 96 : index
      %get3A_286 = tpu.vector_load %arg8[%get3A_284, %get3A_285] {strides = array<i32>} : memref<64x128xf32, #tpu.memory_space<vmem>>, vector<1x16xf32>,
      %get3A_287 = vector.shape_cast %get3A_286 : vector<1x16xf32> to vector<16xf32>
      %get3A_288 = arith.index_cast %scan3A_260 : i32 to index
      %get3A_289 = arith.constant 112 : index
      %get3A_290 = tpu.vector_load %arg8[%get3A_288, %get3A_289] {strides = array<i32>} : memref<64x128xf32, #tpu.memory_space<vmem>>, vector<1x16xf32>,
      %get3A_291 = vector.shape_cast %get3A_290 : vector<1x16xf32> to vector<16xf32>
      %add3A_292 = arith.constant 128 : i32
      %add3A_293 = arith.addi %add3A_292, %scan3A_260 : i32
      %get3A_294 = arith.index_cast %add3A_293 : i32 to index
      %get3A_295 = arith.constant 0 : index
      %get3A_296 = tpu.vector_load %arg7[%get3A_294, %get3A_295] {strides = array<i32>} : memref<256x128xf32, #tpu.memory_space<vmem>>, vector<1x16xf32>,
      %get3A_297 = vector.shape_cast %get3A_296 : vector<1x16xf32> to vector<16xf32>
      %add3A_298 = arith.addf %get3A_297, %get3A_263 : vector<16xf32>
      %add3A_299 = arith.constant 128 : i32
      %add3A_300 = arith.addi %add3A_299, %scan3A_260 : i32
      %swap3A = arith.index_cast %add3A_300 : i32 to index
      %swap3A_301 = arith.constant 0 : index
      %swap3A_302 = tpu.vector_load %arg7[%swap3A, %swap3A_301] {strides = array<i32>} : memref<256x128xf32, #tpu.memory_space<vmem>>, vector<1x16xf32>,
      %swap3A_303 = vector.shape_cast %swap3A_302 : vector<1x16xf32> to vector<16xf32>
      %swap3A_304 = vector.shape_cast %add3A_298 : vector<16xf32> to vector<1x16xf32>
      tpu.vector_store %arg7[%swap3A, %swap3A_301], %swap3A_304 {strides = array<i32>} : memref<256x128xf32, #tpu.memory_space<vmem>>, vector<1x16xf32>,
      %add3A_305 = arith.constant 128 : i32
      %add3A_306 = arith.addi %add3A_305, %scan3A_260 : i32
      %get3A_307 = arith.index_cast %add3A_306 : i32 to index
      %get3A_308 = arith.constant 16 : index
      %get3A_309 = tpu.vector_load %arg7[%get3A_307, %get3A_308] {strides = array<i32>} : memref<256x128xf32, #tpu.memory_space<vmem>>, vector<1x16xf32>,
      %get3A_310 = vector.shape_cast %get3A_309 : vector<1x16xf32> to vector<16xf32>
      %add3A_311 = arith.addf %get3A_310, %get3A_267 : vector<16xf32>
      %add3A_312 = arith.constant 128 : i32
      %add3A_313 = arith.addi %add3A_312, %scan3A_260 : i32
      %swap3A_314 = arith.index_cast %add3A_313 : i32 to index
      %swap3A_315 = arith.constant 16 : index
      %swap3A_316 = tpu.vector_load %arg7[%swap3A_314, %swap3A_315] {strides = array<i32>} : memref<256x128xf32, #tpu.memory_space<vmem>>, vector<1x16xf32>,
      %swap3A_317 = vector.shape_cast %swap3A_316 : vector<1x16xf32> to vector<16xf32>
      %swap3A_318 = vector.shape_cast %add3A_311 : vector<16xf32> to vector<1x16xf32>
      tpu.vector_store %arg7[%swap3A_314, %swap3A_315], %swap3A_318 {strides = array<i32>} : memref<256x128xf32, #tpu.memory_space<vmem>>, vector<1x16xf32>,
      %add3A_319 = arith.constant 128 : i32
      %add3A_320 = arith.addi %add3A_319, %scan3A_260 : i32
      %get3A_321 = arith.index_cast %add3A_320 : i32 to index
      %get3A_322 = arith.constant 32 : index
      %get3A_323 = tpu.vector_load %arg7[%get3A_321, %get3A_322] {strides = array<i32>} : memref<256x128xf32, #tpu.memory_space<vmem>>, vector<1x16xf32>,
      %get3A_324 = vector.shape_cast %get3A_323 : vector<1x16xf32> to vector<16xf32>
      %add3A_325 = arith.addf %get3A_324, %get3A_271 : vector<16xf32>
      %add3A_326 = arith.constant 128 : i32
      %add3A_327 = arith.addi %add3A_326, %scan3A_260 : i32
      %swap3A_328 = arith.index_cast %add3A_327 : i32 to index
      %swap3A_329 = arith.constant 32 : index
      %swap3A_330 = tpu.vector_load %arg7[%swap3A_328, %swap3A_329] {strides = array<i32>} : memref<256x128xf32, #tpu.memory_space<vmem>>, vector<1x16xf32>,
      %swap3A_331 = vector.shape_cast %swap3A_330 : vector<1x16xf32> to vector<16xf32>
      %swap3A_332 = vector.shape_cast %add3A_325 : vector<16xf32> to vector<1x16xf32>
      tpu.vector_store %arg7[%swap3A_328, %swap3A_329], %swap3A_332 {strides = array<i32>} : memref<256x128xf32, #tpu.memory_space<vmem>>, vector<1x16xf32>,
      %add3A_333 = arith.constant 128 : i32
      %add3A_334 = arith.addi %add3A_333, %scan3A_260 : i32
      %get3A_335 = arith.index_cast %add3A_334 : i32 to index
      %get3A_336 = arith.constant 48 : index
      %get3A_337 = tpu.vector_load %arg7[%get3A_335, %get3A_336] {strides = array<i32>} : memref<256x128xf32, #tpu.memory_space<vmem>>, vector<1x16xf32>,
      %get3A_338 = vector.shape_cast %get3A_337 : vector<1x16xf32> to vector<16xf32>
      %add3A_339 = arith.addf %get3A_338, %get3A_275 : vector<16xf32>
      %add3A_340 = arith.constant 128 : i32
      %add3A_341 = arith.addi %add3A_340, %scan3A_260 : i32
      %swap3A_342 = arith.index_cast %add3A_341 : i32 to index
      %swap3A_343 = arith.constant 48 : index
      %swap3A_344 = tpu.vector_load %arg7[%swap3A_342, %swap3A_343] {strides = array<i32>} : memref<256x128xf32, #tpu.memory_space<vmem>>, vector<1x16xf32>,
      %swap3A_345 = vector.shape_cast %swap3A_344 : vector<1x16xf32> to vector<16xf32>
      %swap3A_346 = vector.shape_cast %add3A_339 : vector<16xf32> to vector<1x16xf32>
      tpu.vector_store %arg7[%swap3A_342, %swap3A_343], %swap3A_346 {strides = array<i32>} : memref<256x128xf32, #tpu.memory_space<vmem>>, vector<1x16xf32>,
      %add3A_347 = arith.constant 128 : i32
      %add3A_348 = arith.addi %add3A_347, %scan3A_260 : i32
      %get3A_349 = arith.index_cast %add3A_348 : i32 to index
      %get3A_350 = arith.constant 64 : index
      %get3A_351 = tpu.vector_load %arg7[%get3A_349, %get3A_350] {strides = array<i32>} : memref<256x128xf32, #tpu.memory_space<vmem>>, vector<1x16xf32>,
      %get3A_352 = vector.shape_cast %get3A_351 : vector<1x16xf32> to vector<16xf32>
      %add3A_353 = arith.addf %get3A_352, %get3A_279 : vector<16xf32>
      %add3A_354 = arith.constant 128 : i32
      %add3A_355 = arith.addi %add3A_354, %scan3A_260 : i32
      %swap3A_356 = arith.index_cast %add3A_355 : i32 to index
      %swap3A_357 = arith.constant 64 : index
      %swap3A_358 = tpu.vector_load %arg7[%swap3A_356, %swap3A_357] {strides = array<i32>} : memref<256x128xf32, #tpu.memory_space<vmem>>, vector<1x16xf32>,
      %swap3A_359 = vector.shape_cast %swap3A_358 : vector<1x16xf32> to vector<16xf32>
      %swap3A_360 = vector.shape_cast %add3A_353 : vector<16xf32> to vector<1x16xf32>
      tpu.vector_store %arg7[%swap3A_356, %swap3A_357], %swap3A_360 {strides = array<i32>} : memref<256x128xf32, #tpu.memory_space<vmem>>, vector<1x16xf32>,
      %add3A_361 = arith.constant 128 : i32
      %add3A_362 = arith.addi %add3A_361, %scan3A_260 : i32
      %get3A_363 = arith.index_cast %add3A_362 : i32 to index
      %get3A_364 = arith.constant 80 : index
      %get3A_365 = tpu.vector_load %arg7[%get3A_363, %get3A_364] {strides = array<i32>} : memref<256x128xf32, #tpu.memory_space<vmem>>, vector<1x16xf32>,
      %get3A_366 = vector.shape_cast %get3A_365 : vector<1x16xf32> to vector<16xf32>
      %add3A_367 = arith.addf %get3A_366, %get3A_283 : vector<16xf32>
      %add3A_368 = arith.constant 128 : i32
      %add3A_369 = arith.addi %add3A_368, %scan3A_260 : i32
      %swap3A_370 = arith.index_cast %add3A_369 : i32 to index
      %swap3A_371 = arith.constant 80 : index
      %swap3A_372 = tpu.vector_load %arg7[%swap3A_370, %swap3A_371] {strides = array<i32>} : memref<256x128xf32, #tpu.memory_space<vmem>>, vector<1x16xf32>,
      %swap3A_373 = vector.shape_cast %swap3A_372 : vector<1x16xf32> to vector<16xf32>
      %swap3A_374 = vector.shape_cast %add3A_367 : vector<16xf32> to vector<1x16xf32>
      tpu.vector_store %arg7[%swap3A_370, %swap3A_371], %swap3A_374 {strides = array<i32>} : memref<256x128xf32, #tpu.memory_space<vmem>>, vector<1x16xf32>,
      %add3A_375 = arith.constant 128 : i32
      %add3A_376 = arith.addi %add3A_375, %scan3A_260 : i32
      %get3A_377 = arith.index_cast %add3A_376 : i32 to index
      %get3A_378 = arith.constant 96 : index
      %get3A_379 = tpu.vector_load %arg7[%get3A_377, %get3A_378] {strides = array<i32>} : memref<256x128xf32, #tpu.memory_space<vmem>>, vector<1x16xf32>,
      %get3A_380 = vector.shape_cast %get3A_379 : vector<1x16xf32> to vector<16xf32>
      %add3A_381 = arith.addf %get3A_380, %get3A_287 : vector<16xf32>
      %add3A_382 = arith.constant 128 : i32
      %add3A_383 = arith.addi %add3A_382, %scan3A_260 : i32
      %swap3A_384 = arith.index_cast %add3A_383 : i32 to index
      %swap3A_385 = arith.constant 96 : index
      %swap3A_386 = tpu.vector_load %arg7[%swap3A_384, %swap3A_385] {strides = array<i32>} : memref<256x128xf32, #tpu.memory_space<vmem>>, vector<1x16xf32>,
      %swap3A_387 = vector.shape_cast %swap3A_386 : vector<1x16xf32> to vector<16xf32>
      %swap3A_388 = vector.shape_cast %add3A_381 : vector<16xf32> to vector<1x16xf32>
      tpu.vector_store %arg7[%swap3A_384, %swap3A_385], %swap3A_388 {strides = array<i32>} : memref<256x128xf32, #tpu.memory_space<vmem>>, vector<1x16xf32>,
      %add3A_389 = arith.constant 128 : i32
      %add3A_390 = arith.addi %add3A_389, %scan3A_260 : i32
      %get3A_391 = arith.index_cast %add3A_390 : i32 to index
      %get3A_392 = arith.constant 112 : index
      %get3A_393 = tpu.vector_load %arg7[%get3A_391, %get3A_392] {strides = array<i32>} : memref<256x128xf32, #tpu.memory_space<vmem>>, vector<1x16xf32>,
      %get3A_394 = vector.shape_cast %get3A_393 : vector<1x16xf32> to vector<16xf32>
      %add3A_395 = arith.addf %get3A_394, %get3A_291 : vector<16xf32>
      %add3A_396 = arith.constant 128 : i32
      %add3A_397 = arith.addi %add3A_396, %scan3A_260 : i32
      %swap3A_398 = arith.index_cast %add3A_397 : i32 to index
      %swap3A_399 = arith.constant 112 : index
      %swap3A_400 = tpu.vector_load %arg7[%swap3A_398, %swap3A_399] {strides = array<i32>} : memref<256x128xf32, #tpu.memory_space<vmem>>, vector<1x16xf32>,
      %swap3A_401 = vector.shape_cast %swap3A_400 : vector<1x16xf32> to vector<16xf32>
      %swap3A_402 = vector.shape_cast %add3A_395 : vector<16xf32> to vector<1x16xf32>
      tpu.vector_store %arg7[%swap3A_398, %swap3A_399], %swap3A_402 {strides = array<i32>} : memref<256x128xf32, #tpu.memory_space<vmem>>, vector<1x16xf32>,
      %add3A_403 = arith.constant 192 : i32
      %add3A_404 = arith.addi %add3A_403, %scan3A_260 : i32
      %get3A_405 = arith.index_cast %add3A_404 : i32 to index
      %get3A_406 = arith.constant 0 : index
      %get3A_407 = tpu.vector_load %arg7[%get3A_405, %get3A_406] {strides = array<i32>} : memref<256x128xf32, #tpu.memory_space<vmem>>, vector<1x16xf32>,
      %get3A_408 = vector.shape_cast %get3A_407 : vector<1x16xf32> to vector<16xf32>
      %add3A_409 = arith.addf %get3A_408, %get3A_263 : vector<16xf32>
      %add3A_410 = arith.constant 192 : i32
      %add3A_411 = arith.addi %add3A_410, %scan3A_260 : i32
      %swap3A_412 = arith.index_cast %add3A_411 : i32 to index
      %swap3A_413 = arith.constant 0 : index
      %swap3A_414 = tpu.vector_load %arg7[%swap3A_412, %swap3A_413] {strides = array<i32>} : memref<256x128xf32, #tpu.memory_space<vmem>>, vector<1x16xf32>,
      %swap3A_415 = vector.shape_cast %swap3A_414 : vector<1x16xf32> to vector<16xf32>
      %swap3A_416 = vector.shape_cast %add3A_409 : vector<16xf32> to vector<1x16xf32>
      tpu.vector_store %arg7[%swap3A_412, %swap3A_413], %swap3A_416 {strides = array<i32>} : memref<256x128xf32, #tpu.memory_space<vmem>>, vector<1x16xf32>,
      %add3A_417 = arith.constant 192 : i32
      %add3A_418 = arith.addi %add3A_417, %scan3A_260 : i32
      %get3A_419 = arith.index_cast %add3A_418 : i32 to index
      %get3A_420 = arith.constant 16 : index
      %get3A_421 = tpu.vector_load %arg7[%get3A_419, %get3A_420] {strides = array<i32>} : memref<256x128xf32, #tpu.memory_space<vmem>>, vector<1x16xf32>,
      %get3A_422 = vector.shape_cast %get3A_421 : vector<1x16xf32> to vector<16xf32>
      %add3A_423 = arith.addf %get3A_422, %get3A_267 : vector<16xf32>
      %add3A_424 = arith.constant 192 : i32
      %add3A_425 = arith.addi %add3A_424, %scan3A_260 : i32
      %swap3A_426 = arith.index_cast %add3A_425 : i32 to index
      %swap3A_427 = arith.constant 16 : index
      %swap3A_428 = tpu.vector_load %arg7[%swap3A_426, %swap3A_427] {strides = array<i32>} : memref<256x128xf32, #tpu.memory_space<vmem>>, vector<1x16xf32>,
      %swap3A_429 = vector.shape_cast %swap3A_428 : vector<1x16xf32> to vector<16xf32>
      %swap3A_430 = vector.shape_cast %add3A_423 : vector<16xf32> to vector<1x16xf32>
      tpu.vector_store %arg7[%swap3A_426, %swap3A_427], %swap3A_430 {strides = array<i32>} : memref<256x128xf32, #tpu.memory_space<vmem>>, vector<1x16xf32>,
      %add3A_431 = arith.constant 192 : i32
      %add3A_432 = arith.addi %add3A_431, %scan3A_260 : i32
      %get3A_433 = arith.index_cast %add3A_432 : i32 to index
      %get3A_434 = arith.constant 32 : index
      %get3A_435 = tpu.vector_load %arg7[%get3A_433, %get3A_434] {strides = array<i32>} : memref<256x128xf32, #tpu.memory_space<vmem>>, vector<1x16xf32>,
      %get3A_436 = vector.shape_cast %get3A_435 : vector<1x16xf32> to vector<16xf32>
      %add3A_437 = arith.addf %get3A_436, %get3A_271 : vector<16xf32>
      %add3A_438 = arith.constant 192 : i32
      %add3A_439 = arith.addi %add3A_438, %scan3A_260 : i32
      %swap3A_440 = arith.index_cast %add3A_439 : i32 to index
      %swap3A_441 = arith.constant 32 : index
      %swap3A_442 = tpu.vector_load %arg7[%swap3A_440, %swap3A_441] {strides = array<i32>} : memref<256x128xf32, #tpu.memory_space<vmem>>, vector<1x16xf32>,
      %swap3A_443 = vector.shape_cast %swap3A_442 : vector<1x16xf32> to vector<16xf32>
      %swap3A_444 = vector.shape_cast %add3A_437 : vector<16xf32> to vector<1x16xf32>
      tpu.vector_store %arg7[%swap3A_440, %swap3A_441], %swap3A_444 {strides = array<i32>} : memref<256x128xf32, #tpu.memory_space<vmem>>, vector<1x16xf32>,
      %add3A_445 = arith.constant 192 : i32
      %add3A_446 = arith.addi %add3A_445, %scan3A_260 : i32
      %get3A_447 = arith.index_cast %add3A_446 : i32 to index
      %get3A_448 = arith.constant 48 : index
      %get3A_449 = tpu.vector_load %arg7[%get3A_447, %get3A_448] {strides = array<i32>} : memref<256x128xf32, #tpu.memory_space<vmem>>, vector<1x16xf32>,
      %get3A_450 = vector.shape_cast %get3A_449 : vector<1x16xf32> to vector<16xf32>
      %add3A_451 = arith.addf %get3A_450, %get3A_275 : vector<16xf32>
      %add3A_452 = arith.constant 192 : i32
      %add3A_453 = arith.addi %add3A_452, %scan3A_260 : i32
      %swap3A_454 = arith.index_cast %add3A_453 : i32 to index
      %swap3A_455 = arith.constant 48 : index
      %swap3A_456 = tpu.vector_load %arg7[%swap3A_454, %swap3A_455] {strides = array<i32>} : memref<256x128xf32, #tpu.memory_space<vmem>>, vector<1x16xf32>,
      %swap3A_457 = vector.shape_cast %swap3A_456 : vector<1x16xf32> to vector<16xf32>
      %swap3A_458 = vector.shape_cast %add3A_451 : vector<16xf32> to vector<1x16xf32>
      tpu.vector_store %arg7[%swap3A_454, %swap3A_455], %swap3A_458 {strides = array<i32>} : memref<256x128xf32, #tpu.memory_space<vmem>>, vector<1x16xf32>,
      %add3A_459 = arith.constant 192 : i32
      %add3A_460 = arith.addi %add3A_459, %scan3A_260 : i32
      %get3A_461 = arith.index_cast %add3A_460 : i32 to index
      %get3A_462 = arith.constant 64 : index
      %get3A_463 = tpu.vector_load %arg7[%get3A_461, %get3A_462] {strides = array<i32>} : memref<256x128xf32, #tpu.memory_space<vmem>>, vector<1x16xf32>,
      %get3A_464 = vector.shape_cast %get3A_463 : vector<1x16xf32> to vector<16xf32>
      %add3A_465 = arith.addf %get3A_464, %get3A_279 : vector<16xf32>
      %add3A_466 = arith.constant 192 : i32
      %add3A_467 = arith.addi %add3A_466, %scan3A_260 : i32
      %swap3A_468 = arith.index_cast %add3A_467 : i32 to index
      %swap3A_469 = arith.constant 64 : index
      %swap3A_470 = tpu.vector_load %arg7[%swap3A_468, %swap3A_469] {strides = array<i32>} : memref<256x128xf32, #tpu.memory_space<vmem>>, vector<1x16xf32>,
      %swap3A_471 = vector.shape_cast %swap3A_470 : vector<1x16xf32> to vector<16xf32>
      %swap3A_472 = vector.shape_cast %add3A_465 : vector<16xf32> to vector<1x16xf32>
      tpu.vector_store %arg7[%swap3A_468, %swap3A_469], %swap3A_472 {strides = array<i32>} : memref<256x128xf32, #tpu.memory_space<vmem>>, vector<1x16xf32>,
      %add3A_473 = arith.constant 192 : i32
      %add3A_474 = arith.addi %add3A_473, %scan3A_260 : i32
      %get3A_475 = arith.index_cast %add3A_474 : i32 to index
      %get3A_476 = arith.constant 80 : index
      %get3A_477 = tpu.vector_load %arg7[%get3A_475, %get3A_476] {strides = array<i32>} : memref<256x128xf32, #tpu.memory_space<vmem>>, vector<1x16xf32>,
      %get3A_478 = vector.shape_cast %get3A_477 : vector<1x16xf32> to vector<16xf32>
      %add3A_479 = arith.addf %get3A_478, %get3A_283 : vector<16xf32>
      %add3A_480 = arith.constant 192 : i32
      %add3A_481 = arith.addi %add3A_480, %scan3A_260 : i32
      %swap3A_482 = arith.index_cast %add3A_481 : i32 to index
      %swap3A_483 = arith.constant 80 : index
      %swap3A_484 = tpu.vector_load %arg7[%swap3A_482, %swap3A_483] {strides = array<i32>} : memref<256x128xf32, #tpu.memory_space<vmem>>, vector<1x16xf32>,
      %swap3A_485 = vector.shape_cast %swap3A_484 : vector<1x16xf32> to vector<16xf32>
      %swap3A_486 = vector.shape_cast %add3A_479 : vector<16xf32> to vector<1x16xf32>
      tpu.vector_store %arg7[%swap3A_482, %swap3A_483], %swap3A_486 {strides = array<i32>} : memref<256x128xf32, #tpu.memory_space<vmem>>, vector<1x16xf32>,
      %add3A_487 = arith.constant 192 : i32
      %add3A_488 = arith.addi %add3A_487, %scan3A_260 : i32
      %get3A_489 = arith.index_cast %add3A_488 : i32 to index
      %get3A_490 = arith.constant 96 : index
      %get3A_491 = tpu.vector_load %arg7[%get3A_489, %get3A_490] {strides = array<i32>} : memref<256x128xf32, #tpu.memory_space<vmem>>, vector<1x16xf32>,
      %get3A_492 = vector.shape_cast %get3A_491 : vector<1x16xf32> to vector<16xf32>
      %add3A_493 = arith.addf %get3A_492, %get3A_287 : vector<16xf32>
      %add3A_494 = arith.constant 192 : i32
      %add3A_495 = arith.addi %add3A_494, %scan3A_260 : i32
      %swap3A_496 = arith.index_cast %add3A_495 : i32 to index
      %swap3A_497 = arith.constant 96 : index
      %swap3A_498 = tpu.vector_load %arg7[%swap3A_496, %swap3A_497] {strides = array<i32>} : memref<256x128xf32, #tpu.memory_space<vmem>>, vector<1x16xf32>,
      %swap3A_499 = vector.shape_cast %swap3A_498 : vector<1x16xf32> to vector<16xf32>
      %swap3A_500 = vector.shape_cast %add3A_493 : vector<16xf32> to vector<1x16xf32>
      tpu.vector_store %arg7[%swap3A_496, %swap3A_497], %swap3A_500 {strides = array<i32>} : memref<256x128xf32, #tpu.memory_space<vmem>>, vector<1x16xf32>,
      %add3A_501 = arith.constant 192 : i32
      %add3A_502 = arith.addi %add3A_501, %scan3A_260 : i32
      %get3A_503 = arith.index_cast %add3A_502 : i32 to index
      %get3A_504 = arith.constant 112 : index
      %get3A_505 = tpu.vector_load %arg7[%get3A_503, %get3A_504] {strides = array<i32>} : memref<256x128xf32, #tpu.memory_space<vmem>>, vector<1x16xf32>,
      %get3A_506 = vector.shape_cast %get3A_505 : vector<1x16xf32> to vector<16xf32>
      %add3A_507 = arith.addf %get3A_506, %get3A_291 : vector<16xf32>
      %add3A_508 = arith.constant 192 : i32
      %add3A_509 = arith.addi %add3A_508, %scan3A_260 : i32
      %swap3A_510 = arith.index_cast %add3A_509 : i32 to index
      %swap3A_511 = arith.constant 112 : index
      %swap3A_512 = tpu.vector_load %arg7[%swap3A_510, %swap3A_511] {strides = array<i32>} : memref<256x128xf32, #tpu.memory_space<vmem>>, vector<1x16xf32>,
      %swap3A_513 = vector.shape_cast %swap3A_512 : vector<1x16xf32> to vector<16xf32>
      %swap3A_514 = vector.shape_cast %add3A_507 : vector<16xf32> to vector<1x16xf32>
      tpu.vector_store %arg7[%swap3A_510, %swap3A_511], %swap3A_514 {strides = array<i32>} : memref<256x128xf32, #tpu.memory_space<vmem>>, vector<1x16xf32>,
    }
    %scan3A_181 = arith.constant 64 : i32
    %dma_start3A_182 = arith.constant 2 : i32
    %dma_start3A_183 = arith.constant 128 : i32
    %dma_start3A_184 = arith.constant 0 : i32
    %dma_start3A_185 = tpu.memref_slice %arg7[%dma_start3A_183, %dma_start3A_184] : memref<256x128xf32, #tpu.memory_space<vmem>> -> memref<64x128xf32, #tpu.memory_space<vmem>>
    %dma_start3A_186 = arith.constant 0 : i32
    %dma_start3A_187 = tpu.memref_slice %arg5[%dma_start3A_182, %mul3A_2, %dma_start3A_186] : memref<4x2048x128xf32, #tpu.memory_space<hbm>> -> memref<1x64x128xf32, #tpu.memory_space<hbm>>
    %dma_start3A_188 = tpu.memref_squeeze %dma_start3A_187 : memref<1x64x128xf32, #tpu.memory_space<hbm>> -> memref<64x128xf32, #tpu.memory_space<hbm>>
    %dma_start3A_189 = arith.constant 0 : i32
    %dma_start3A_190 = tpu.memref_slice %arg5[%dma_start3A_182, %mul3A_2, %dma_start3A_189] : memref<4x2048x128xf32, #tpu.memory_space<hbm>> -> memref<1x64x128xf32, #tpu.memory_space<hbm>>
    %dma_start3A_191 = tpu.memref_squeeze %dma_start3A_190 : memref<1x64x128xf32, #tpu.memory_space<hbm>> -> memref<64x128xf32, #tpu.memory_space<hbm>>
    %dma_start3A_192 = arith.constant 128 : i32
    %dma_start3A_193 = arith.constant 0 : i32
    %dma_start3A_194 = tpu.memref_slice %arg7[%dma_start3A_192, %dma_start3A_193] : memref<256x128xf32, #tpu.memory_space<vmem>> -> memref<64x128xf32, #tpu.memory_space<vmem>>
    tpu.enqueue_dma source(%dma_start3A_194 : memref<64x128xf32, #tpu.memory_space<vmem>>) target(%dma_start3A_191 : memref<64x128xf32, #tpu.memory_space<hbm>>) target_semaphore(%arg11 : memref<!tpu.dma_semaphore, #tpu.memory_space<semaphore_mem>>)
    %dma_start3A_195 = arith.constant 3 : i32
    %dma_start3A_196 = arith.constant 192 : i32
    %dma_start3A_197 = arith.constant 0 : i32
    %dma_start3A_198 = tpu.memref_slice %arg7[%dma_start3A_196, %dma_start3A_197] : memref<256x128xf32, #tpu.memory_space<vmem>> -> memref<64x128xf32, #tpu.memory_space<vmem>>
    %dma_start3A_199 = arith.constant 0 : i32
    %dma_start3A_200 = tpu.memref_slice %arg5[%dma_start3A_195, %mul3A_2, %dma_start3A_199] : memref<4x2048x128xf32, #tpu.memory_space<hbm>> -> memref<1x64x128xf32, #tpu.memory_space<hbm>>
    %dma_start3A_201 = tpu.memref_squeeze %dma_start3A_200 : memref<1x64x128xf32, #tpu.memory_space<hbm>> -> memref<64x128xf32, #tpu.memory_space<hbm>>
    %dma_start3A_202 = arith.constant 0 : i32
    %dma_start3A_203 = tpu.memref_slice %arg5[%dma_start3A_195, %mul3A_2, %dma_start3A_202] : memref<4x2048x128xf32, #tpu.memory_space<hbm>> -> memref<1x64x128xf32, #tpu.memory_space<hbm>>
    %dma_start3A_204 = tpu.memref_squeeze %dma_start3A_203 : memref<1x64x128xf32, #tpu.memory_space<hbm>> -> memref<64x128xf32, #tpu.memory_space<hbm>>
    %dma_start3A_205 = arith.constant 192 : i32
    %dma_start3A_206 = arith.constant 0 : i32
    %dma_start3A_207 = tpu.memref_slice %arg7[%dma_start3A_205, %dma_start3A_206] : memref<256x128xf32, #tpu.memory_space<vmem>> -> memref<64x128xf32, #tpu.memory_space<vmem>>
    tpu.enqueue_dma source(%dma_start3A_207 : memref<64x128xf32, #tpu.memory_space<vmem>>) target(%dma_start3A_204 : memref<64x128xf32, #tpu.memory_space<hbm>>) target_semaphore(%arg11 : memref<!tpu.dma_semaphore, #tpu.memory_space<semaphore_mem>>)
    %dma_wait3A_208 = arith.constant 0 : i32
    %dma_wait3A_209 = arith.constant 0 : i32
    %dma_wait3A_210 = arith.constant 0 : i32
    %dma_wait3A_211 = tpu.memref_slice %arg7[%dma_wait3A_209, %dma_wait3A_210] : memref<256x128xf32, #tpu.memory_space<vmem>> -> memref<64x128xf32, #tpu.memory_space<vmem>>
    %dma_wait3A_212 = arith.constant 0 : i32
    %dma_wait3A_213 = tpu.memref_slice %arg5[%dma_wait3A_208, %mul3A_2, %dma_wait3A_212] : memref<4x2048x128xf32, #tpu.memory_space<hbm>> -> memref<1x64x128xf32, #tpu.memory_space<hbm>>
    %dma_wait3A_214 = tpu.memref_squeeze %dma_wait3A_213 : memref<1x64x128xf32, #tpu.memory_space<hbm>> -> memref<64x128xf32, #tpu.memory_space<hbm>>
    %dma_wait3A_215 = arith.constant 0 : i32
    %dma_wait3A_216 = tpu.memref_slice %arg5[%dma_wait3A_208, %mul3A_2, %dma_wait3A_215] : memref<4x2048x128xf32, #tpu.memory_space<hbm>> -> memref<1x64x128xf32, #tpu.memory_space<hbm>>
    %dma_wait3A_217 = tpu.memref_squeeze %dma_wait3A_216 : memref<1x64x128xf32, #tpu.memory_space<hbm>> -> memref<64x128xf32, #tpu.memory_space<hbm>>
    %dma_wait3A_218 = arith.constant 0 : i32
    %dma_wait3A_219 = arith.constant 0 : i32
    %dma_wait3A_220 = tpu.memref_slice %arg7[%dma_wait3A_218, %dma_wait3A_219] : memref<256x128xf32, #tpu.memory_space<vmem>> -> memref<64x128xf32, #tpu.memory_space<vmem>>
    tpu.wait_dma2 semaphore(%arg11 : memref<!tpu.dma_semaphore, #tpu.memory_space<semaphore_mem>>) src(%dma_wait3A_220 : memref<64x128xf32, #tpu.memory_space<vmem>>) dst(%dma_wait3A_217 : memref<64x128xf32, #tpu.memory_space<hbm>>)
    %dma_wait3A_221 = arith.constant 1 : i32
    %dma_wait3A_222 = arith.constant 64 : i32
    %dma_wait3A_223 = arith.constant 0 : i32
    %dma_wait3A_224 = tpu.memref_slice %arg7[%dma_wait3A_222, %dma_wait3A_223] : memref<256x128xf32, #tpu.memory_space<vmem>> -> memref<64x128xf32, #tpu.memory_space<vmem>>
    %dma_wait3A_225 = arith.constant 0 : i32
    %dma_wait3A_226 = tpu.memref_slice %arg5[%dma_wait3A_221, %mul3A_2, %dma_wait3A_225] : memref<4x2048x128xf32, #tpu.memory_space<hbm>> -> memref<1x64x128xf32, #tpu.memory_space<hbm>>
    %dma_wait3A_227 = tpu.memref_squeeze %dma_wait3A_226 : memref<1x64x128xf32, #tpu.memory_space<hbm>> -> memref<64x128xf32, #tpu.memory_space<hbm>>
    %dma_wait3A_228 = arith.constant 0 : i32
    %dma_wait3A_229 = tpu.memref_slice %arg5[%dma_wait3A_221, %mul3A_2, %dma_wait3A_228] : memref<4x2048x128xf32, #tpu.memory_space<hbm>> -> memref<1x64x128xf32, #tpu.memory_space<hbm>>
    %dma_wait3A_230 = tpu.memref_squeeze %dma_wait3A_229 : memref<1x64x128xf32, #tpu.memory_space<hbm>> -> memref<64x128xf32, #tpu.memory_space<hbm>>
    %dma_wait3A_231 = arith.constant 64 : i32
    %dma_wait3A_232 = arith.constant 0 : i32
    %dma_wait3A_233 = tpu.memref_slice %arg7[%dma_wait3A_231, %dma_wait3A_232] : memref<256x128xf32, #tpu.memory_space<vmem>> -> memref<64x128xf32, #tpu.memory_space<vmem>>
    tpu.wait_dma2 semaphore(%arg11 : memref<!tpu.dma_semaphore, #tpu.memory_space<semaphore_mem>>) src(%dma_wait3A_233 : memref<64x128xf32, #tpu.memory_space<vmem>>) dst(%dma_wait3A_230 : memref<64x128xf32, #tpu.memory_space<hbm>>)
    %dma_wait3A_234 = arith.constant 2 : i32
    %dma_wait3A_235 = arith.constant 128 : i32
    %dma_wait3A_236 = arith.constant 0 : i32
    %dma_wait3A_237 = tpu.memref_slice %arg7[%dma_wait3A_235, %dma_wait3A_236] : memref<256x128xf32, #tpu.memory_space<vmem>> -> memref<64x128xf32, #tpu.memory_space<vmem>>
    %dma_wait3A_238 = arith.constant 0 : i32
    %dma_wait3A_239 = tpu.memref_slice %arg5[%dma_wait3A_234, %mul3A_2, %dma_wait3A_238] : memref<4x2048x128xf32, #tpu.memory_space<hbm>> -> memref<1x64x128xf32, #tpu.memory_space<hbm>>
    %dma_wait3A_240 = tpu.memref_squeeze %dma_wait3A_239 : memref<1x64x128xf32, #tpu.memory_space<hbm>> -> memref<64x128xf32, #tpu.memory_space<hbm>>
    %dma_wait3A_241 = arith.constant 0 : i32
    %dma_wait3A_242 = tpu.memref_slice %arg5[%dma_wait3A_234, %mul3A_2, %dma_wait3A_241] : memref<4x2048x128xf32, #tpu.memory_space<hbm>> -> memref<1x64x128xf32, #tpu.memory_space<hbm>>
    %dma_wait3A_243 = tpu.memref_squeeze %dma_wait3A_242 : memref<1x64x128xf32, #tpu.memory_space<hbm>> -> memref<64x128xf32, #tpu.memory_space<hbm>>
    %dma_wait3A_244 = arith.constant 128 : i32
    %dma_wait3A_245 = arith.constant 0 : i32
    %dma_wait3A_246 = tpu.memref_slice %arg7[%dma_wait3A_244, %dma_wait3A_245] : memref<256x128xf32, #tpu.memory_space<vmem>> -> memref<64x128xf32, #tpu.memory_space<vmem>>
    tpu.wait_dma2 semaphore(%arg11 : memref<!tpu.dma_semaphore, #tpu.memory_space<semaphore_mem>>) src(%dma_wait3A_246 : memref<64x128xf32, #tpu.memory_space<vmem>>) dst(%dma_wait3A_243 : memref<64x128xf32, #tpu.memory_space<hbm>>)
    %dma_wait3A_247 = arith.constant 3 : i32
    %dma_wait3A_248 = arith.constant 192 : i32
    %dma_wait3A_249 = arith.constant 0 : i32
    %dma_wait3A_250 = tpu.memref_slice %arg7[%dma_wait3A_248, %dma_wait3A_249] : memref<256x128xf32, #tpu.memory_space<vmem>> -> memref<64x128xf32, #tpu.memory_space<vmem>>
    %dma_wait3A_251 = arith.constant 0 : i32
    %dma_wait3A_252 = tpu.memref_slice %arg5[%dma_wait3A_247, %mul3A_2, %dma_wait3A_251] : memref<4x2048x128xf32, #tpu.memory_space<hbm>> -> memref<1x64x128xf32, #tpu.memory_space<hbm>>
    %dma_wait3A_253 = tpu.memref_squeeze %dma_wait3A_252 : memref<1x64x128xf32, #tpu.memory_space<hbm>> -> memref<64x128xf32, #tpu.memory_space<hbm>>
    %dma_wait3A_254 = arith.constant 0 : i32
    %dma_wait3A_255 = tpu.memref_slice %arg5[%dma_wait3A_247, %mul3A_2, %dma_wait3A_254] : memref<4x2048x128xf32, #tpu.memory_space<hbm>> -> memref<1x64x128xf32, #tpu.memory_space<hbm>>
    %dma_wait3A_256 = tpu.memref_squeeze %dma_wait3A_255 : memref<1x64x128xf32, #tpu.memory_space<hbm>> -> memref<64x128xf32, #tpu.memory_space<hbm>>
    %dma_wait3A_257 = arith.constant 192 : i32
    %dma_wait3A_258 = arith.constant 0 : i32
    %dma_wait3A_259 = tpu.memref_slice %arg7[%dma_wait3A_257, %dma_wait3A_258] : memref<256x128xf32, #tpu.memory_space<vmem>> -> memref<64x128xf32, #tpu.memory_space<vmem>>
    tpu.wait_dma2 semaphore(%arg11 : memref<!tpu.dma_semaphore, #tpu.memory_space<semaphore_mem>>) src(%dma_wait3A_259 : memref<64x128xf32, #tpu.memory_space<vmem>>) dst(%dma_wait3A_256 : memref<64x128xf32, #tpu.memory_space<hbm>>)
    return
  }
}

</mosaic_0001>

<sc_bundles>
// kernel: kernel.3.cloned.1.call-start
scs
__scs_entry_jumppad:
0x0: {  	(pc) =	sbr.rel $0x88, $3  }
0x1: {  	(tag) =	ssettag $0x0;
	lr =	simm.s32 $0x1  }
0x2: {  	[smem:$0x3F9E] =	sst lr;
	_ =	strace $0xD0000000  }
0x3: {  	_ = 	snop  }
0x4: {  	_ = 	snop  }
0x5: {  	_ = 	snop  }
0x6: {  	_ = 	snop  }
0x7: {  	_ = 	snop  }
__scs_overlays_trampoline_lowered:
0x8: {  	[smem:$0x3FAD] =	sst s0  }
0x9: {  	[smem:$0x3FAE] =	sst s1  }
0xa: {  	[smem:$0x3FAF] =	sst s2  }
0xb: {  	[smem:$0x3FB0] =	sst s3  }
0xc: {  	[smem:$0x3FB1] =	sst s4  }
0xd: {  	[smem:$0x3FB2] =	sst s5  }
0xe: {  	[smem:$0x3FB3] =	sst s6  }
0xf: {  	[smem:$0x3FB4] =	sst s7  }
0x10: {  	[smem:$0x3FB5] =	sst s8  }
0x11: {  	[smem:$0x3FB6] =	sst s9;
	s0 =	simm.s32 @!p0 $0x0  }
0x12: {  	s1 =	sld [smem:$0x3F9C];
	s0 =	simm.s32 @p0 $0x1  }
0x13: {  	[smem:$0x3FB7] =	sst s0;
	s0 =	simm.s32 @!p1 $0x0  }
0x14: {  	s2 =	sld [smem:$0x3F9B];
	s0 =	simm.s32 @p1 $0x1  }
0x15: {  	[smem:$0x3FB8] =	sst s0;
	s0 =	simm.s32 @!p2 $0x0  }
0x16: {  	s3 =	sld [smem:$0x3FDB];
	s0 =	simm.s32 @p2 $0x1  }
0x17: {  	s4 =	simm.s32 $0x1BF5;
	[smem:$0x3FBA] =	sst s0  }
0x18: {  	s0 =	sld [smem:$0x3F9D];
	_ =	swait.ge [sflag:s4], $0x0  }
0x19: {  	s7 =	sld [smem:$0x3F9E]  }
0x1a: {  	s8 =	sadd.s32 $0xFFFFE003, lr  }
0x1b: {  	s9 =	sadd.s32 $0xFFFFFEF7, lr;
	s5 =	simm.s32 $0xFFFFFFFF;
	p2 =	slt.u32 s8, $0xFFFFF086  }
0x1c: {  	p1 =	slt.u32 s9, $0xF7A;
	s5 =	simm.s32 @!p2 $0x0  }
0x1d: {  	s5 =	simm.s32 @p1 $0x1;
	p0 =	seq.s32 s7, s2  }
0x1e: {  	s7 =	smul.u32 @!p0 $0xF7A, s2;
	p2 =	seq.s32 @!p0 s5, $0x0  }
0x1f: {  	s9 =	smul.u32 $0xF7A, s1;
	s8 =	simm.s32 @!p0 $0x1BF5;
	p2 =	por !p2, p0  }
0x20: {  	[sflag:s8] =	ssyncset.s32 @!p0 $0xFFFFF086;
	s6 =	sadd.s32 @!p0 s3, s7;
	s7 =	simm.s32 @!p0 $0x108  }
0x21: {  	s3 =	sadd.s32 s3, s9;
	s6 =	sadd.s32 @!p0 $0x88, s6;
	s7 =	simm.s32 @p2 $0x1082  }
0x22: {  	[simem:s7], [sflag:s8] =	dma.local @!p0 [hbm:s6], $0xF7A  }
0x23: {  	s9 =	sor.u32 $0xD0000000, s2;
	s6 =	simm.s32 $0x108;
	_ =	swait.ge @!p0 [sflag:s8], $0x0  }
0x24: {  	s3 =	sadd.s32 $0x88, s3;
	s6 =	simm.s32 @!p1 $0x1082;
	[sflag:s4] =	ssyncset.s32 $0xFFFFF086  }
0x25: {  	[simem:s6], [sflag:s4] =	dma.local [hbm:s3], $0xF7A  }
0x26: {  	[smem:$0x3F9E] =	sst s1;
	(tag) =	ssettag s2;
	_ =	strace s9  }
0x27: {  	s1 =	sld [smem:$0x3FAE]  }
0x28: {  	s2 =	sld [smem:$0x3FAF]  }
0x29: {  	s4 =	sld [smem:$0x3FB1]  }
0x2a: {  	p0 =	seq.s32 s5, $0x0;
	s5 =	sld [smem:$0x3FB2]  }
0x2b: {  	s6 =	sld [smem:$0x3FB3]  }
0x2c: {  	s7 =	sld [smem:$0x3FB4]  }
0x2d: {  	s3 =	simm.s32 $0x108;
	s8 =	sld [smem:$0x3FB5]  }
0x2e: {  	s3 =	simm.s32 @!p0 $0x1082;
	s9 =	sld [smem:$0x3FB6]  }
0x2f: {  	lr =	sadd.s32 s0, s3;
	s0 =	sld [smem:$0x3FAD]  }
0x30: {  	s3 =	sld [smem:$0x3FB0]  }
0x31: {  	[smem:$0x3FB9] =	sst s10  }
0x32: {  	s10 =	sld [smem:$0x3FB7];
	_ =	sdelay $0x3  }
0x33: {  	p0 =	seq.s32 s10, $0x1;
	s10 =	sld [smem:$0x3FB9];
	_ =	sdelay $0x3  }
0x34: {  	[smem:$0x3FB9] =	sst s10  }
0x35: {  	s10 =	sld [smem:$0x3FB8];
	_ =	sdelay $0x3  }
0x36: {  	p1 =	seq.s32 s10, $0x1;
	s10 =	sld [smem:$0x3FB9];
	_ =	sdelay $0x3  }
0x37: {  	[smem:$0x3FB9] =	sst s10  }
0x38: {  	s10 =	sld [smem:$0x3FBA]  }
0x39: {  	_ = 	snop;
	(pc) =	sbr.ind lr, $3  }
0x3a: {  	_ = 	snop  }
0x3b: {  	_ = 	snop  }
0x3c: {  	p2 =	seq.s32 s10, $0x1;
	s10 =	sld [smem:$0x3FB9]  }
0x3d: {  	_ =	shalt  }
0x3e: {  	_ =	shalt  }
0x3f: {  	_ =	shalt  }
0x40: {  	_ =	shalt  }
0x41: {  	_ =	shalt  }
0x42: {  	_ =	shalt  }
0x43: {  	_ =	shalt  }
0x44: {  	_ =	shalt  }
0x45: {  	_ =	shalt  }
0x46: {  	_ =	shalt  }
0x47: {  	_ =	shalt  }
0x48: {  	_ =	shalt  }
0x49: {  	_ =	shalt  }
0x4a: {  	_ =	shalt  }
0x4b: {  	_ =	shalt  }
0x4c: {  	_ =	shalt  }
0x4d: {  	_ =	shalt  }
0x4e: {  	_ =	shalt  }
0x4f: {  	_ =	shalt  }
0x50: {  	_ =	shalt  }
0x51: {  	_ =	shalt  }
0x52: {  	_ =	shalt  }
0x53: {  	_ =	shalt  }
0x54: {  	_ =	shalt  }
0x55: {  	_ =	shalt  }
0x56: {  	_ =	shalt  }
0x57: {  	_ =	shalt  }
0x58: {  	_ =	shalt  }
0x59: {  	_ =	shalt  }
0x5a: {  	_ =	shalt  }
0x5b: {  	_ =	shalt  }
0x5c: {  	_ =	shalt  }
0x5d: {  	_ =	shalt  }
0x5e: {  	_ =	shalt  }
0x5f: {  	_ =	shalt  }
0x60: {  	_ =	shalt  }
0x61: {  	_ =	shalt  }
0x62: {  	_ =	shalt  }
0x63: {  	_ =	shalt  }
0x64: {  	_ =	shalt  }
0x65: {  	_ =	shalt  }
0x66: {  	_ =	shalt  }
0x67: {  	_ =	shalt  }
0x68: {  	_ =	shalt  }
0x69: {  	_ =	shalt  }
0x6a: {  	_ =	shalt  }
0x6b: {  	_ =	shalt  }
0x6c: {  	_ =	shalt  }
0x6d: {  	_ =	shalt  }
0x6e: {  	_ =	shalt  }
0x6f: {  	_ =	shalt  }
0x70: {  	_ =	shalt  }
0x71: {  	_ =	shalt  }
0x72: {  	_ =	shalt  }
0x73: {  	_ =	shalt  }
0x74: {  	_ =	shalt  }
0x75: {  	_ =	shalt  }
0x76: {  	_ =	shalt  }
0x77: {  	_ =	shalt  }
0x78: {  	_ =	shalt  }
0x79: {  	_ =	shalt  }
0x7a: {  	_ =	shalt  }
0x7b: {  	_ =	shalt  }
0x7c: {  	_ =	shalt  }
0x7d: {  	_ =	shalt  }
0x7e: {  	_ =	shalt  }
0x7f: {  	_ =	shalt  }
0x80: {  	_ =	shalt  }
0x81: {  	_ =	shalt  }
0x82: {  	_ =	shalt  }
0x83: {  	_ =	shalt  }
0x84: {  	_ =	shalt  }
0x85: {  	_ =	shalt  }
0x86: {  	_ =	shalt  }
0x87: {  	_ =	shalt  }
.Lfunc_end0:
.L_simem_size_0:
called_computation_lowered:
.L_overlay_start_0:
0x88: {  	s2 =	sld [smem:$0x3FD9]  }
0x89: {  	s3 =	sld [smem:$0x3FFE];
	_ =	sdelay $0x1  }
0x8a: {  	s1 =	srdreg.scid  }
0x8b: {  	s0 =	sand.u32 $0x1, s1  }
0x8c: {  	s18 =	sshll.u32 s0, $0xA;
	s2 =	sadd.s32 s3, s2  }
0x8d: {  	s2 =	sadd.s32 s2, s18  }
0x8e: {  	[smem:$0x3FC5] =	sst s2  }
0x8f: {  	_ = 	snop  }
0x90: {  	s2 =	sld [smem:$0x3FC9]  }
0x91: {  	s19 =	sld [smem:$0x3FC8]  }
0x92: {  	s4 =	sld [smem:$0x3FC7]  }
0x93: {  	s5 =	sld [smem:$0x3FD0];
	(tm) =	ssettm $0x1  }
0x94: {  	s6 =	sld [smem:$0x3FFB];
	_ =	sdelay $0x3  }
0x95: {  	_ =	strace s6  }
0x96: {  	s6 =	sld [smem:$0x3FFC];
	_ =	sdelay $0x3  }
0x97: {  	_ =	strace s6  }
0x98: {  	s6 =	sld [smem:$0x3FFD];
	_ =	sdelay $0x3  }
0x99: {  	_ =	strace s6  }
0x9a: {  	_ =	strace $0x8FFFFFFF  }
0x9b: {  	s20 =	sld [smem:$0x3FDB];
	_ =	sdelay $0x1  }
0x9c: {  	s7 =	simm.s32 $_scs_section_size  }
0x9d: {  	s8 =	simm.s32 $_size__tile_overlayer_lowered;
	s9 =	simm.s32 $_tile_overlayer_lowered  }
0x9e: {  	s23 =	simm.s32 $0x1BFF;
	s22 =	sshll.u32 s9, $0x1;
	s6 =	sadd.s32 s7, s20  }
0x9f: {  	s10 =	simm.s32 $0x0;
	s21 =	sshll.u32 s8, $0x1;
	s8 =	sadd.s32 s22, s6  }
0xa0: {  	[timem:s10], [sflag:s23] =	dma.local [hbm:s8], s21  }
0xa1: {  	_ =	swait.ge [sflag:s23], s21  }
0xa2: {  	s7 =	ssub.s32 $0x0, s21;
	[sflag:s23] =	ssyncset.done $0x0  }
0xa3: {  	[sflag:s23] =	ssyncadd.s32 s7;
	_ =	sdelay $0x1  }
0xa4: {  	s24 =	simm.s32 $0x1B8B  }
0xa5: {  	_ =	swait.ge [sflag:s24], $0x1  }
0xa6: {  	[sflag:s24] =	ssyncset.done $0x0  }
0xa7: {  	s25 =	simm.s32 $0x1B8E;
	[sflag:s24] =	ssyncadd.s32 $0xFFFFFFFF  }
0xa8: {  	s26 =	simm.s32 $execute0_lowered;
	[smem:$0x3FD2] =	sst s25  }
0xa9: {  	s7 =	sshll.u32 s26, $0x1;
	_ =	strace $0x80000046;
	[dreg:$0x1] =	wrdreg $0xFFFFFFFF  }
0xaa: {  	s28 =	simm.s32 $_size_execute0_lowered;
	s6 =	sadd.s32 s6, s7;
	[dreg:$0x0] =	wrdreg $0x0  }
0xab: {  	s7 =	sshll.u32 s28, $0x1;
	[dreg:$0x2] =	wrdreg s6  }
0xac: {  	[dreg:$0x3] =	wrdreg s7  }
0xad: {  	[dreg:$0x4] =	wrdreg $0xC0  }
0xae: {  	_ =	task [dreg:s10], $0x5FFFF  }
0xaf: {  	[dreg:$0x1] =	wrdreg $0xFFFFFFFF  }
0xb0: {  	[dreg:$0x0] =	wrdreg $0x60  }
0xb1: {  	[dreg:$0x2] =	wrdreg s2  }
0xb2: {  	[dreg:$0x3] =	wrdreg s19  }
0xb3: {  	[dreg:$0x4] =	wrdreg s4  }
0xb4: {  	[dreg:$0x5] =	wrdreg s5  }
0xb5: {  	[dreg:$0x6] =	wrdreg $0x9  }
0xb6: {  	_ =	task.clear_ibuf [dreg:s10], $0x7FFFF;
	_ =	strace $0x90000046  }
0xb7: {  	s29 =	simm.s32 $0x9;
	_ =	strace $0x80000048  }
0xb8: {  	_ =	swait.ge [sflag:s29], $0x1  }
0xb9: {  	[sflag:s29] =	ssyncadd.s32 $0xFFFFFFFF  }
0xba: {  	_ =	strace $0x90000048  }
0xbb: {  	_ =	sfence  }
0xbc: {  	s30 =	sld [smem:$0x0];
	_ =	sdelay $0x2  }
0xbd: {  	s31 =	sshll.u32 s1, $0xD;
	s1 =	sshrl.u32 s1, $0x2  }
0xbe: {  	s3 =	sand.u32 $0x4000, s31;
	s1 =	sadd.s32 s1, s30  }
0xbf: {  	s0 =	sor.u32 s3, s0;
	s1 =	sshll.u32 s1, $0x11  }
0xc0: {  	s0 =	sor.u32 s1, s0  }
0xc1: {  	s0 =	sadd.s32 $0x8F2B, s0  }
0xc2: {  	[sflag:s0] =	ssyncadd.remote.s32 $0x1  }
0xc3: {  	_ =	sfence.sel $0xFFFF  }
0xc4: {  	[dreg:$0x0] =	wrdreg $0xFFFFFFFF;
	(pc) =	sbr.abs _section_cstart, $3  }
0xc5: {  	[dreg:$0x1] =	wrdreg $0xFFFFFFFF  }
0xc6: {  	_ =	task.clear_ibuf [dreg:s10], $0x2FFFF;
	_ =	strace $0x9FFFFFFF  }
0xc7: {  	(tm) =	ssettm $0x7FFFFFFF  }
tec
execute0_lowered:
.L_overlay_start_1:
0x0: {  	(tag) =	ssettag $0x1  }
0x1: {  	s1 =	srdreg.scid;
	s7 =	rddreg [dreg:$0x0]  }
0x2: {  	s0 =	stileid.u32;
	s9 =	rddreg [dreg:$0x2]  }
0x3: {  	s8 =	rddreg [dreg:$0x3];
	s3 =	simm.s32 $0x0;
	s14 =	simm.s32 $0x40  }
0x4: {  	s15 =	simm.s32 $0x80;
	s16 =	simm.s32 $0xC0;
	s17 =	simm.s32 $0x4  }
0x5: {  	s18 =	simm.s32 $0x100;
	s19 =	simm.s32 $0x2100;
	s20 =	simm.s32 $0x4100  }
0x6: {  	s21 =	simm.s32 $0x6100;
	s22 =	simm.s32 $0x8100;
	s23 =	simm.s32 $0x1  }
0x7: {  	s24 =	simm.s32 $0x2;
	s25 =	simm.s32 $0x3;
	s26 =	simm.s32 $0x0  }
0x8: {  	s4 =	sand.u32 $0x1, s1;
	s1 =	rddreg [dreg:$0x1];
	s2 =	sshll.u32 s0, $0x7  }
0x9: {  	[smem:$0x7FF] =	sst s3;
	s5 =	sshll.u32 s4, $0x6;
	s12 =	ssub.s32 $0x2, s4  }
0xa: {  	s6 =	sor.u32 s5, s2;
	s2 =	rddreg [dreg:$0x4];
	s29 =	sshrl.u32 s12, $0x1  }
0xb: {  	_ =	strace $0x80000047;
	s10 =	sshll.u32 s6, $0x2;
	s13 =	ssub.s32 s12, s29  }
0xc: {  	s31 =	sshll.u32 s6, $0x4;
	s11 =	sand.u32 $0x1E00, s10;
	s10 =	sor.u32 s5, s10  }
0xd: {  	s8 =	sadd.s32 s8, s31;
	s9 =	sadd.s32 s9, s31;
	s13 =	smax.u32 s13, $0x1  }
0xe: {  	s11 =	sor.u32 s5, s11;
	s10 =	sshrl.u32 s10, $0x3;
	s12 =	sadd.s32 $0x18000, s8  }
0xf: {  	s28 =	sshrl.u32 s11, $0x3;
	s30 =	sor.u32 $0x20, s10;
	s10 =	sor.u32 $0x30, s10  }
0x10: {  	s11 =	sadd.s32 $0x10000, s8;
	s4 =	sadd.s32 s7, s28;
	s6 =	sadd.s32 s7, s30  }
0x11: {  	s7 =	sadd.s32 s7, s10;
	s10 =	sadd.s32 $0x8000, s8;
	s5 =	sadd.s32 $0x10, s4  }
.LBB2_1:
0x12: {  	[tilespmem:s3], [sflag:$0x4] =	stream.linear.gather [hbm4b:s4+s3], $0x40, $0x38;
	[tilespmem:$0xA100] =	vst v63  }
0x13: {  	_ = 	snop  }
0x14: {  	[tilespmem:s14], [sflag:$0x4] =	stream.linear.gather [hbm4b:s5+s3], $0x40, $0x38;
	[tilespmem:$0xA100] =	vst v63  }
0x15: {  	_ = 	snop  }
0x16: {  	[tilespmem:s15], [sflag:$0x4] =	stream.linear.gather [hbm4b:s6+s3], $0x40, $0x38;
	[tilespmem:$0xA100] =	vst v63  }
0x17: {  	_ = 	snop  }
0x18: {  	[tilespmem:s16], [sflag:$0x4] =	stream.linear.gather [hbm4b:s7+s3], $0x40, $0x38;
	[tilespmem:$0xA100] =	vst v63  }
0x19: {  	_ =	swait.ge [sflag:s17], $0x40  }
0x1a: {  	[sflag:s17] =	ssyncset.done $0x0  }
0x1b: {  	[sflag:s17] =	ssyncadd.s32 $0xFFFFFFC0  }
0x1c: {  	[tilespmem:s18], [sflag:$0x1] =	stream.indirect.gather [hbm4b:s1+s14], $0x80, s3, s14, $0xb8;
	[tilespmem:$0xA100] =	vst v63  }
0x1d: {  	_ =	swait.ge [sflag:s17], $0x40  }
0x1e: {  	[sflag:s17] =	ssyncset.done $0x0  }
0x1f: {  	[sflag:s17] =	ssyncadd.s32 $0xFFFFFFC0  }
0x20: {  	[tilespmem:s19], [sflag:$0x1] =	stream.indirect.gather [hbm4b:s1+s14], $0x80, s14, s14, $0xb8;
	[tilespmem:$0xA100] =	vst v63  }
0x21: {  	_ =	swait.ge [sflag:s17], $0x40  }
0x22: {  	[sflag:s17] =	ssyncset.done $0x0  }
0x23: {  	[sflag:s17] =	ssyncadd.s32 $0xFFFFFFC0  }
0x24: {  	[tilespmem:s20], [sflag:$0x2] =	stream.indirect.gather [hbm4b:s1+s14], $0x80, s15, s14, $0xb8;
	[tilespmem:$0xA100] =	vst v63  }
0x25: {  	_ =	swait.ge [sflag:s17], $0x40  }
0x26: {  	[sflag:s17] =	ssyncset.done $0x0  }
0x27: {  	[sflag:s17] =	ssyncadd.s32 $0xFFFFFFC0  }
0x28: {  	[tilespmem:s21], [sflag:$0x2] =	stream.indirect.gather [hbm4b:s1+s14], $0x80, s16, s14, $0xb8;
	[tilespmem:$0xA100] =	vst v63  }
0x29: {  	_ = 	snop  }
0x2a: {  	[tilespmem:s22], [sflag:$0x4] =	stream.linear.gather [hbm4b:s9+s3], $0x2000, $0x38;
	[tilespmem:$0xA100] =	vst v63  }
0x2b: {  	_ =	swait.ge [sflag:s23], $0x2000  }
0x2c: {  	[sflag:s23] =	ssyncset.done $0x0  }
0x2d: {  	[sflag:s23] =	ssyncadd.s32 $0xFFFFE000  }
0x2e: {  	_ =	swait.ge [sflag:s23], $0x2000  }
0x2f: {  	[sflag:s23] =	ssyncset.done $0x0  }
0x30: {  	[sflag:s23] =	ssyncadd.s32 $0xFFFFE000  }
0x31: {  	_ =	swait.ge [sflag:s17], $0x2000  }
0x32: {  	[sflag:s17] =	ssyncset.done $0x0  }
0x33: {  	s28 =	simm.s32 $0x0;
	[sflag:s17] =	ssyncadd.s32 $0xFFFFE000  }
0x34: {  	v10 =	vld [tilespmem:s28+$0x8100]  }
0x35: {  	v11 =	vld [tilespmem:s28+$0x8110]  }
0x36: {  	v5 =	vld [tilespmem:s28+$0x8120]  }
0x37: {  	v4 =	vld [tilespmem:s28+$0x8130]  }
0x38: {  	v3 =	vld [tilespmem:s28+$0x8140]  }
0x39: {  	v2 =	vld [tilespmem:s28+$0x8150]  }
0x3a: {  	v1 =	vld [tilespmem:s28+$0x8160]  }
0x3b: {  	v0 =	vld [tilespmem:s28+$0x8170]  }
0x3c: {  	v6 =	vld [tilespmem:s28+$0x100]  }
0x3d: {  	v7 =	vld [tilespmem:s28+$0x110]  }
0x3e: {  	v8 =	vld [tilespmem:s28+$0x120]  }
0x3f: {  	v9 =	vld [tilespmem:s28+$0x130]  }
0x40: {  	v13 =	vld [tilespmem:s28+$0x150]  }
0x41: {  	v12 =	vld [tilespmem:s28+$0x140];
	v6 =	vadd.f32 v6, v10  }
0x42: {  	v14 =	vld [tilespmem:s28+$0x160];
	v7 =	vadd.f32 v7, v11  }
0x43: {  	v15 =	vld [tilespmem:s28+$0x170];
	[tilespmem:s28+$0x100] =	vst v6;
	v6 =	vadd.f32 v8, v5  }
0x44: {  	[tilespmem:s28+$0x110] =	vst v7;
	v7 =	vadd.f32 v9, v4  }
0x45: {  	v16 =	vld [tilespmem:s28+$0x2100];
	v8 =	vadd.f32 v13, v2;
	[tilespmem:s28+$0x120] =	vst v6  }
0x46: {  	v17 =	vld [tilespmem:s28+$0x2110];
	v6 =	vadd.f32 v12, v3;
	[tilespmem:s28+$0x130] =	vst v7  }
0x47: {  	v9 =	vadd.f32 v14, v1;
	v7 =	vld [tilespmem:s28+$0x2120];
	[tilespmem:s28+$0x150] =	vst v8  }
0x48: {  	v12 =	vadd.f32 v15, v0;
	[tilespmem:s28+$0x140] =	vst v6;
	v6 =	vld [tilespmem:s28+$0x2130]  }
0x49: {  	v8 =	vld [tilespmem:s28+$0x2140];
	[tilespmem:s28+$0x160] =	vst v9  }
0x4a: {  	v9 =	vld [tilespmem:s28+$0x2150];
	[tilespmem:s28+$0x170] =	vst v12;
	v12 =	vadd.f32 v16, v10  }
0x4b: {  	s29 =	simm.s32 $0x200;
	v11 =	vadd.f32 v17, v11;
	v10 =	vld [tilespmem:s28+$0x2160]  }
.LBB2_2:
0x4c: {  	s30 =	sshra.s32 s29, $0x2;
	p0 =	sne.s32 s29, $0x7E00;
	[tilespmem:s28+$0x2100] =	vst v12;
	v5 =	vadd.f32 v7, v5;
	v7 =	vld [tilespmem:s28+$0x2170]  }
0x4d: {  	v12 =	vld [tilespmem:s30+$0x8100];
	[tilespmem:s28+$0x2110] =	vst v11;
	v4 =	vadd.f32 v6, v4  }
0x4e: {  	v11 =	vld [tilespmem:s30+$0x8110];
	[tilespmem:s28+$0x2120] =	vst v5;
	v3 =	vadd.f32 v8, v3  }
0x4f: {  	v5 =	vld [tilespmem:s30+$0x8120];
	[tilespmem:s28+$0x2130] =	vst v4;
	v2 =	vadd.f32 v9, v2  }
0x50: {  	v4 =	vld [tilespmem:s30+$0x8130];
	[tilespmem:s28+$0x2140] =	vst v3;
	v1 =	vadd.f32 v10, v1  }
0x51: {  	v3 =	vld [tilespmem:s30+$0x8140];
	[tilespmem:s28+$0x2150] =	vst v2;
	v0 =	vadd.f32 v7, v0  }
0x52: {  	v2 =	vld [tilespmem:s30+$0x8150];
	[tilespmem:s28+$0x2160] =	vst v1  }
0x53: {  	v1 =	vld [tilespmem:s30+$0x8160];
	[tilespmem:s28+$0x2170] =	vst v0;
	s28 =	smov.u32 s30  }
0x54: {  	v0 =	vld [tilespmem:s28+$0x8170]  }
0x55: {  	v6 =	vld [tilespmem:s28+$0x100]  }
0x56: {  	v7 =	vld [tilespmem:s28+$0x110]  }
0x57: {  	v8 =	vld [tilespmem:s28+$0x120]  }
0x58: {  	v9 =	vld [tilespmem:s28+$0x130]  }
0x59: {  	v10 =	vld [tilespmem:s28+$0x140]  }
0x5a: {  	v6 =	vadd.f32 v6, v12;
	v13 =	vld [tilespmem:s28+$0x150]  }
0x5b: {  	v7 =	vadd.f32 v7, v11;
	v14 =	vld [tilespmem:s28+$0x160]  }
0x5c: {  	[tilespmem:s28+$0x100] =	vst v6;
	v6 =	vadd.f32 v8, v5;
	v8 =	vld [tilespmem:s28+$0x170]  }
0x5d: {  	[tilespmem:s28+$0x110] =	vst v7;
	v7 =	vadd.f32 v9, v4;
	v9 =	vld [tilespmem:s28+$0x2100]  }
0x5e: {  	[tilespmem:s28+$0x120] =	vst v6;
	v6 =	vadd.f32 v10, v3;
	v10 =	vld [tilespmem:s28+$0x2110]  }
.Ltmp0:
0x5f: {  	[tilespmem:s28+$0x130] =	vst v7;
	v13 =	vadd.f32 v13, v2;
	v7 =	vld [tilespmem:s28+$0x2120];
	(pc) =	sbr.rel @p0 .LBB2_2-.Ltmp0, $4  }
0x60: {  	[tilespmem:s28+$0x140] =	vst v6;
	v14 =	vadd.f32 v14, v1;
	v6 =	vld [tilespmem:s28+$0x2130]  }
0x61: {  	[tilespmem:s28+$0x150] =	vst v13;
	v13 =	vadd.f32 v8, v0;
	v8 =	vld [tilespmem:s28+$0x2140]  }
0x62: {  	[tilespmem:s28+$0x160] =	vst v14;
	v12 =	vadd.f32 v9, v12;
	v9 =	vld [tilespmem:s28+$0x2150]  }
0x63: {  	s29 =	sadd.s32 $0x200, s29;
	[tilespmem:s28+$0x170] =	vst v13;
	v11 =	vadd.f32 v10, v11;
	v10 =	vld [tilespmem:s28+$0x2160]  }
0x64: {  	[tilespmem:s28+$0x2100] =	vst v12;
	v5 =	vadd.f32 v7, v5;
	v7 =	vld [tilespmem:s28+$0x2170]  }
0x65: {  	[tilespmem:s28+$0x2110] =	vst v11;
	v4 =	vadd.f32 v6, v4  }
0x66: {  	[tilespmem:s28+$0x2120] =	vst v5;
	v3 =	vadd.f32 v8, v3  }
0x67: {  	[tilespmem:s28+$0x2130] =	vst v4;
	v2 =	vadd.f32 v9, v2  }
0x68: {  	[tilespmem:s28+$0x2140] =	vst v3;
	v1 =	vadd.f32 v10, v1  }
0x69: {  	[tilespmem:s28+$0x2150] =	vst v2;
	v0 =	vadd.f32 v7, v0  }
0x6a: {  	[tilespmem:s28+$0x2160] =	vst v1  }
0x6b: {  	[tilespmem:s28+$0x2170] =	vst v0;
	s28 =	simm.s32 $0x0  }
0x6c: {  	[hbm4b:s8+s28] =	stream.linear.scatter [tilespmem:s18], [sflag:$0x3], $0x2000, $0x38;
	[tilespmem:$0xA100] =	vst v63  }
0x6d: {  	_ = 	snop  }
0x6e: {  	[hbm4b:s10+s28] =	stream.linear.scatter [tilespmem:s19], [sflag:$0x3], $0x2000, $0x38;
	[tilespmem:$0xA100] =	vst v63  }
0x6f: {  	_ =	swait.ge [sflag:s24], $0x2000  }
0x70: {  	[sflag:s24] =	ssyncset.done $0x0  }
0x71: {  	[sflag:s24] =	ssyncadd.s32 $0xFFFFE000  }
0x72: {  	_ =	swait.ge [sflag:s24], $0x2000  }
0x73: {  	[sflag:s24] =	ssyncset.done $0x0  }
0x74: {  	s28 =	simm.s32 $0x0;
	[sflag:s24] =	ssyncadd.s32 $0xFFFFE000  }
0x75: {  	v10 =	vld [tilespmem:s28+$0x8100]  }
0x76: {  	v11 =	vld [tilespmem:s28+$0x8110]  }
0x77: {  	v5 =	vld [tilespmem:s28+$0x8120]  }
0x78: {  	v4 =	vld [tilespmem:s28+$0x8130]  }
0x79: {  	v3 =	vld [tilespmem:s28+$0x8140]  }
0x7a: {  	v2 =	vld [tilespmem:s28+$0x8150]  }
0x7b: {  	v1 =	vld [tilespmem:s28+$0x8160]  }
0x7c: {  	v0 =	vld [tilespmem:s28+$0x8170]  }
0x7d: {  	v6 =	vld [tilespmem:s28+$0x4100]  }
0x7e: {  	v7 =	vld [tilespmem:s28+$0x4110]  }
0x7f: {  	v8 =	vld [tilespmem:s28+$0x4120]  }
0x80: {  	v9 =	vld [tilespmem:s28+$0x4130]  }
0x81: {  	v13 =	vld [tilespmem:s28+$0x4150]  }
0x82: {  	v12 =	vld [tilespmem:s28+$0x4140];
	v6 =	vadd.f32 v6, v10  }
0x83: {  	v14 =	vld [tilespmem:s28+$0x4160];
	v7 =	vadd.f32 v7, v11  }
0x84: {  	v15 =	vld [tilespmem:s28+$0x4170];
	[tilespmem:s28+$0x4100] =	vst v6;
	v6 =	vadd.f32 v8, v5  }
0x85: {  	[tilespmem:s28+$0x4110] =	vst v7;
	v7 =	vadd.f32 v9, v4  }
0x86: {  	v16 =	vld [tilespmem:s28+$0x6100];
	v8 =	vadd.f32 v13, v2;
	[tilespmem:s28+$0x4120] =	vst v6  }
0x87: {  	v17 =	vld [tilespmem:s28+$0x6110];
	v6 =	vadd.f32 v12, v3;
	[tilespmem:s28+$0x4130] =	vst v7  }
0x88: {  	v9 =	vadd.f32 v14, v1;
	v7 =	vld [tilespmem:s28+$0x6120];
	[tilespmem:s28+$0x4150] =	vst v8  }
0x89: {  	v12 =	vadd.f32 v15, v0;
	[tilespmem:s28+$0x4140] =	vst v6;
	v6 =	vld [tilespmem:s28+$0x6130]  }
0x8a: {  	v8 =	vld [tilespmem:s28+$0x6140];
	[tilespmem:s28+$0x4160] =	vst v9  }
0x8b: {  	v9 =	vld [tilespmem:s28+$0x6150];
	[tilespmem:s28+$0x4170] =	vst v12;
	v12 =	vadd.f32 v16, v10  }
0x8c: {  	s29 =	simm.s32 $0x200;
	v11 =	vadd.f32 v17, v11;
	v10 =	vld [tilespmem:s28+$0x6160]  }
.LBB2_4:
0x8d: {  	s30 =	sshra.s32 s29, $0x2;
	p0 =	sne.s32 s29, $0x7E00;
	[tilespmem:s28+$0x6100] =	vst v12;
	v5 =	vadd.f32 v7, v5;
	v7 =	vld [tilespmem:s28+$0x6170]  }
0x8e: {  	v12 =	vld [tilespmem:s30+$0x8100];
	[tilespmem:s28+$0x6110] =	vst v11;
	v4 =	vadd.f32 v6, v4  }
0x8f: {  	v11 =	vld [tilespmem:s30+$0x8110];
	[tilespmem:s28+$0x6120] =	vst v5;
	v3 =	vadd.f32 v8, v3  }
0x90: {  	v5 =	vld [tilespmem:s30+$0x8120];
	[tilespmem:s28+$0x6130] =	vst v4;
	v2 =	vadd.f32 v9, v2  }
0x91: {  	v4 =	vld [tilespmem:s30+$0x8130];
	[tilespmem:s28+$0x6140] =	vst v3;
	v1 =	vadd.f32 v10, v1  }
0x92: {  	v3 =	vld [tilespmem:s30+$0x8140];
	[tilespmem:s28+$0x6150] =	vst v2;
	v0 =	vadd.f32 v7, v0  }
0x93: {  	v2 =	vld [tilespmem:s30+$0x8150];
	[tilespmem:s28+$0x6160] =	vst v1  }
0x94: {  	v1 =	vld [tilespmem:s30+$0x8160];
	[tilespmem:s28+$0x6170] =	vst v0;
	s28 =	smov.u32 s30  }
0x95: {  	v0 =	vld [tilespmem:s28+$0x8170]  }
0x96: {  	v6 =	vld [tilespmem:s28+$0x4100]  }
0x97: {  	v7 =	vld [tilespmem:s28+$0x4110]  }
0x98: {  	v8 =	vld [tilespmem:s28+$0x4120]  }
0x99: {  	v9 =	vld [tilespmem:s28+$0x4130]  }
0x9a: {  	v10 =	vld [tilespmem:s28+$0x4140]  }
0x9b: {  	v6 =	vadd.f32 v6, v12;
	v13 =	vld [tilespmem:s28+$0x4150]  }
0x9c: {  	v7 =	vadd.f32 v7, v11;
	v14 =	vld [tilespmem:s28+$0x4160]  }
0x9d: {  	[tilespmem:s28+$0x4100] =	vst v6;
	v6 =	vadd.f32 v8, v5;
	v8 =	vld [tilespmem:s28+$0x4170]  }
0x9e: {  	[tilespmem:s28+$0x4110] =	vst v7;
	v7 =	vadd.f32 v9, v4;
	v9 =	vld [tilespmem:s28+$0x6100]  }
0x9f: {  	[tilespmem:s28+$0x4120] =	vst v6;
	v6 =	vadd.f32 v10, v3;
	v10 =	vld [tilespmem:s28+$0x6110]  }
.Ltmp1:
0xa0: {  	[tilespmem:s28+$0x4130] =	vst v7;
	v13 =	vadd.f32 v13, v2;
	v7 =	vld [tilespmem:s28+$0x6120];
	(pc) =	sbr.rel @p0 .LBB2_4-.Ltmp1, $4  }
0xa1: {  	[tilespmem:s28+$0x4140] =	vst v6;
	v14 =	vadd.f32 v14, v1;
	v6 =	vld [tilespmem:s28+$0x6130]  }
0xa2: {  	[tilespmem:s28+$0x4150] =	vst v13;
	v13 =	vadd.f32 v8, v0;
	v8 =	vld [tilespmem:s28+$0x6140]  }
0xa3: {  	[tilespmem:s28+$0x4160] =	vst v14;
	v12 =	vadd.f32 v9, v12;
	v9 =	vld [tilespmem:s28+$0x6150]  }
0xa4: {  	s29 =	sadd.s32 $0x200, s29;
	[tilespmem:s28+$0x4170] =	vst v13;
	v11 =	vadd.f32 v10, v11;
	v10 =	vld [tilespmem:s28+$0x6160]  }
0xa5: {  	[tilespmem:s28+$0x6100] =	vst v12;
	v5 =	vadd.f32 v7, v5;
	v63 =	vld [tilespmem:s28+$0x6170]  }
0xa6: {  	[tilespmem:s28+$0x6110] =	vst v11;
	v4 =	vadd.f32 v6, v4  }
0xa7: {  	[tilespmem:s28+$0x6120] =	vst v5;
	v3 =	vadd.f32 v8, v3  }
0xa8: {  	[tilespmem:s28+$0x6130] =	vst v4;
	v2 =	vadd.f32 v9, v2  }
0xa9: {  	[tilespmem:s28+$0x6140] =	vst v3;
	v1 =	vadd.f32 v10, v1  }
0xaa: {  	[tilespmem:s28+$0x6150] =	vst v2;
	v0 =	vadd.f32 v63, v0  }
0xab: {  	[tilespmem:s28+$0x6160] =	vst v1  }
0xac: {  	[tilespmem:s28+$0x6170] =	vst v0  }
0xad: {  	[hbm4b:s11+s3] =	stream.linear.scatter [tilespmem:s20], [sflag:$0x3], $0x2000, $0x38;
	[tilespmem:$0xA100] =	vst v63  }
0xae: {  	_ = 	snop  }
0xaf: {  	[hbm4b:s12+s3] =	stream.linear.scatter [tilespmem:s21], [sflag:$0x3], $0x2000, $0x38;
	[tilespmem:$0xA100] =	vst v63  }
0xb0: {  	_ =	swait.ge [sflag:s25], $0x2000  }
0xb1: {  	[sflag:s25] =	ssyncset.done $0x0  }
0xb2: {  	[sflag:s25] =	ssyncadd.s32 $0xFFFFE000  }
0xb3: {  	_ =	swait.ge [sflag:s25], $0x2000  }
0xb4: {  	[sflag:s25] =	ssyncset.done $0x0  }
0xb5: {  	s26 =	sadd.s32 $0x1, s26;
	[sflag:s25] =	ssyncadd.s32 $0xFFFFE000  }
0xb6: {  	p0 =	sne.s32 s26, s13;
	_ =	swait.ge [sflag:s25], $0x2000  }
.Ltmp2:
0xb7: {  	[sflag:s25] =	ssyncset.done $0x0;
	(pc) =	sbr.rel @p0 .LBB2_1-.Ltmp2, $4  }
0xb8: {  	[sflag:s25] =	ssyncadd.s32 $0xFFFFE000  }
0xb9: {  	_ =	swait.ge [sflag:s25], $0x2000  }
0xba: {  	[sflag:s25] =	ssyncset.done $0x0  }
0xbb: {  	[sflag:s25] =	ssyncadd.s32 $0xFFFFE000  }
0xbc: {  	_ =	sfence.sel $0x180000  }
0xbd: {  	[bflag:$0x0] =	sbarrier.arrive $0xFFFF  }
0xbe: {  	p0 =	sne.s32 s0, $0x0;
	_ =	strace $0x90000047  }
0xbf: {  	s0 =	sadd.s32 @!p0 $0x100000, s2;
	[bflag:$0x2] =	sbarrier.arrive $0xFFFF  }
0xc0: {  	[sflag:s0] =	ssyncadd.tile.s32 @!p0 $0x1;
	_ =	shalt  }
.Lfunc_end2:
_tile_overlayer_lowered:
.L_overlay_start_2:
0xc1: {  	(tag) =	ssettag $0x2  }
0xc2: {  	s0 =	rddreg [dreg:$0x0];
	s2 =	stileid.u32  }
0xc3: {  	s1 =	rddreg [dreg:$0x1];
	p0 =	sne.s32 s2, $0x0  }
0xc4: {  	s3 =	rddreg [dreg:$0x2];
	[bflag:$0x3] =	sbarrier.arrive $0xFFFF;
	s2 =	simm.s32 @!p0 $0x1C05  }
0xc5: {  	[timem:s3], [sflag:s2] =	dma.local @!p0 [hbm:s0], s1  }
0xc6: {  	s0 =	simm.s32 @!p0 $0x5  }
0xc7: {  	_ =	swait.ge @!p0 [sflag:s0], s1  }
0xc8: {  	s1 =	ssub.s32 @!p0 $0x0, s1;
	[sflag:s0] =	ssyncset.done @!p0 $0x0  }
0xc9: {  	[sflag:s0] =	ssyncadd.s32 @!p0 s1  }
0xca: {  	[bflag:$0x3] =	sbarrier.arrive $0xFFFF  }
0xcb: {  	_ =	shalt  }

</sc_bundles>
